<compile_context>
chip_gen: v7x
topology: tpu7x:2x2x1
jax: 0.10.2.dev20260603
libtpu: 0.0.44.dev20260713+nightly
codegen_flags: <defaults>
</compile_context>

<pallas_src>
import functools

import jax
import jax.numpy as jnp
from jax import lax
from jax.experimental import pallas as pl
from jax.experimental.pallas import tpu as pltpu
from jax.experimental.pallas import tpu_sc as plsc

N = 10000
E = 160000
D = 256
H = 128
EPS = 1e-5
NP = 10240
G = 128
RPT = 80
EP = 16 * RPT * G
ZR = NP // 16

_mesh = plsc.VectorSubcoreMesh(core_axis_name="c", subcore_axis_name="s")


@functools.partial(
    pl.kernel,
    out_type=[
        jax.ShapeDtypeStruct((NP, H), jnp.float32),
        jax.ShapeDtypeStruct((NP, H), jnp.float32),
        jax.ShapeDtypeStruct((NP, H), jnp.float32),
        jax.ShapeDtypeStruct((NP, H), jnp.float32),
        jax.ShapeDtypeStruct((NP, H), jnp.float32),
        jax.ShapeDtypeStruct((NP, H), jnp.float32),
    ],
    mesh=_mesh,
    scratch_types=[
        pltpu.VMEM_SHARED((NP, H), jnp.float32),
        pltpu.VMEM((G,), jnp.int32),
        pltpu.VMEM((G,), jnp.int32),
        pltpu.VMEM((G,), jnp.int32),
        pltpu.VMEM((G,), jnp.int32),
        pltpu.VMEM((G, H), jnp.float32),
        pltpu.VMEM((G, H), jnp.float32),
        pltpu.SemaphoreType.DMA,
        pltpu.SemaphoreType.DMA,
        pltpu.SemaphoreType.DMA,
        pltpu.SemaphoreType.DMA,
        pltpu.SemaphoreType.DMA,
        pltpu.SemaphoreType.DMA,
        pltpu.SemaphoreType.DMA,
        pltpu.SemaphoreType.DMA,
    ],
)
def _sc_segment_sums(xt_lo, xt_hi, xc_lo, xc_hi,
                     s_tt, d_tt, s_ct, d_ct,
                     zrow, ones_hbm,
                     o_tt_lo, o_tt_hi, o_ct_lo, o_ct_hi, o_cnt_tt, o_cnt_ct,
                     acc, sidx0, sidx1, didx0, didx1, rows0, rows1,
                     semi0, semi1, semd0, semd1, semg0, semg1, sems0, sems1):
    c = lax.axis_index("c")
    t = lax.axis_index("s")
    r0 = t * ZR

    def zero_acc():
        pltpu.sync_copy(zrow.at[pl.ds(r0, ZR)], acc.at[pl.ds(r0, ZR)])

    def drain_to(o_ref):
        pltpu.sync_copy(acc.at[pl.ds(r0, ZR)], o_ref.at[pl.ds(r0, ZR)])

    def cnt_pass(d_hbm):
        @pl.loop(0, RPT, step=2)
        def _(g):
            base = (t * RPT + g) * G

            @pl.when(g > 0)
            def _():
                pltpu.make_async_copy(rows1, acc.at[didx0], sems0).wait()
                pltpu.make_async_copy(rows1, acc.at[didx1], sems1).wait()

            cpd0 = pltpu.async_copy(d_hbm.at[pl.ds(base, G)], didx0, semd0)
            cpd1 = pltpu.async_copy(d_hbm.at[pl.ds(base + G, G)], didx1, semd1)
            cpd0.wait()
            pltpu.async_copy(rows1, acc.at[didx0], sems0, add=True)
            cpd1.wait()
            pltpu.async_copy(rows1, acc.at[didx1], sems1, add=True)

        pltpu.make_async_copy(rows1, acc.at[didx0], sems0).wait()
        pltpu.make_async_copy(rows1, acc.at[didx1], sems1).wait()

    def sum_pass(table, s_hbm, d_hbm):
        @pl.loop(0, RPT, step=2)
        def _(g):
            base = (t * RPT + g) * G

            @pl.when(g > 0)
            def _():
                pltpu.make_async_copy(rows0, acc.at[didx0], sems0).wait()

            cps0 = pltpu.async_copy(s_hbm.at[pl.ds(base, G)], sidx0, semi0)
            cpd0 = pltpu.async_copy(d_hbm.at[pl.ds(base, G)], didx0, semd0)

            @pl.when(g > 0)
            def _():
                pltpu.make_async_copy(rows1, acc.at[didx1], sems1).wait()

            cps1 = pltpu.async_copy(s_hbm.at[pl.ds(base + G, G)], sidx1, semi1)
            cpd1 = pltpu.async_copy(d_hbm.at[pl.ds(base + G, G)], didx1, semd1)
            cps0.wait()
            cg0 = pltpu.async_copy(table.at[sidx0], rows0, semg0)
            cps1.wait()
            cg1 = pltpu.async_copy(table.at[sidx1], rows1, semg1)
            cg0.wait()
            cpd0.wait()
            pltpu.async_copy(rows0, acc.at[didx0], sems0, add=True)
            cg1.wait()
            cpd1.wait()
            pltpu.async_copy(rows1, acc.at[didx1], sems1, add=True)

        pltpu.make_async_copy(rows0, acc.at[didx0], sems0).wait()
        pltpu.make_async_copy(rows1, acc.at[didx1], sems1).wait()

    zero_acc()
    pltpu.sync_copy(ones_hbm, rows1)
    plsc.subcore_barrier()

    @pl.when(c == 0)
    def _():
        cnt_pass(d_tt)

    @pl.when(c == 1)
    def _():
        cnt_pass(d_ct)

    plsc.subcore_barrier()

    @pl.when(c == 0)
    def _():
        drain_to(o_cnt_tt)

    @pl.when(c == 1)
    def _():
        drain_to(o_cnt_ct)

    zero_acc()
    plsc.subcore_barrier()

    @pl.when(c == 0)
    def _():
        sum_pass(xt_lo, s_tt, d_tt)

    @pl.when(c == 1)
    def _():
        sum_pass(xt_hi, s_tt, d_tt)

    plsc.subcore_barrier()

    @pl.when(c == 0)
    def _():
        drain_to(o_tt_lo)

    @pl.when(c == 1)
    def _():
        drain_to(o_tt_hi)

    zero_acc()
    plsc.subcore_barrier()

    @pl.when(c == 0)
    def _():
        sum_pass(xc_lo, s_ct, d_ct)

    @pl.when(c == 1)
    def _():
        sum_pass(xc_hi, s_ct, d_ct)

    plsc.subcore_barrier()

    @pl.when(c == 0)
    def _():
        drain_to(o_ct_lo)

    @pl.when(c == 1)
    def _():
        drain_to(o_ct_hi)


def _tc_body(xt, stl, sth, scl, sch, ctt, cct,
             wl_tt, wr_tt, wl_ct, wr_ct, bl, lnw, lnb, out):
    inv_tt = 1.0 / jnp.maximum(ctt[:, 0:1], 1.0)
    inv_ct = 1.0 / jnp.maximum(cct[:, 0:1], 1.0)
    wl_tt_v = wl_tt[...]
    wl_ct_v = wl_ct[...]
    f32 = jnp.float32
    h = jnp.dot(stl[...] * inv_tt, wl_tt_v[:H], preferred_element_type=f32)
    h = h + jnp.dot(sth[...] * inv_tt, wl_tt_v[H:], preferred_element_type=f32)
    h = h + jnp.dot(scl[...] * inv_ct, wl_ct_v[:H], preferred_element_type=f32)
    h = h + jnp.dot(sch[...] * inv_ct, wl_ct_v[H:], preferred_element_type=f32)
    h = h + jnp.dot(xt[...], wr_tt[...] + wr_ct[...], preferred_element_type=f32)
    h = h + bl[...]
    h = jnp.maximum(h, 0.0)
    mu = jnp.mean(h, axis=1, keepdims=True)
    dlt = h - mu
    var = jnp.mean(dlt * dlt, axis=1, keepdims=True)
    out[...] = dlt * lax.rsqrt(var + EPS) * lnw[...] + lnb[...]


_BR = 256


def _tc_call(xp, stl, sth, scl, sch, ctt, cct,
             wl_tt, wr_tt, wl_ct, wr_ct, bl, lnw, lnb):
    grid = (NP // _BR,)
    row = lambda i: (i, 0)
    fixed = lambda i: (0, 0)
    return pl.pallas_call(
        _tc_body,
        grid=grid,
        in_specs=[
            pl.BlockSpec((_BR, D), row),
            pl.BlockSpec((_BR, H), row),
            pl.BlockSpec((_BR, H), row),
            pl.BlockSpec((_BR, H), row),
            pl.BlockSpec((_BR, H), row),
            pl.BlockSpec((_BR, H), row),
            pl.BlockSpec((_BR, H), row),
            pl.BlockSpec((D, D), fixed),
            pl.BlockSpec((D, D), fixed),
            pl.BlockSpec((D, D), fixed),
            pl.BlockSpec((D, D), fixed),
            pl.BlockSpec((1, D), fixed),
            pl.BlockSpec((1, D), fixed),
            pl.BlockSpec((1, D), fixed),
        ],
        out_specs=pl.BlockSpec((_BR, D), row),
        out_shape=jax.ShapeDtypeStruct((NP, D), jnp.float32),
    )(xp, stl, sth, scl, sch, ctt, cct,
      wl_tt, wr_tt, wl_ct, wr_ct, bl, lnw, lnb)


def _prep_edges(edge_index):
    src = jnp.concatenate(
        [edge_index[0], jnp.zeros((EP - E,), jnp.int32)])
    dst = jnp.concatenate(
        [edge_index[1], jnp.full((EP - E,), N, jnp.int32)])
    return src, dst


def kernel(x_target, x_context, edge_index_tt, edge_index_ct,
           Wl_tt, bl_tt, Wr_tt, Wl_ct, Wr_ct, ln_w, ln_b):
    xt_lo = x_target[:, :H]
    xt_hi = x_target[:, H:]
    xc_lo = x_context[:, :H]
    xc_hi = x_context[:, H:]
    s_tt, d_tt = _prep_edges(edge_index_tt)
    s_ct, d_ct = _prep_edges(edge_index_ct)
    zrow = jnp.zeros((NP, H), jnp.float32)
    ones = jnp.ones((G, H), jnp.float32)

    stl, sth, scl, sch, ctt, cct = _sc_segment_sums(
        xt_lo, xt_hi, xc_lo, xc_hi, s_tt, d_tt, s_ct, d_ct,
        zrow, ones)

    xp = jnp.pad(x_target, ((0, NP - N), (0, 0)))
    out = _tc_call(xp, stl, sth, scl, sch, ctt, cct,
                   Wl_tt, Wr_tt, Wl_ct, Wr_ct,
                   bl_tt.reshape(1, D), ln_w.reshape(1, D),
                   ln_b.reshape(1, D))
    return out[:N]

# --- scband reference (transcript-rebuilt; emitter-appended) ---
"""Pipeline reference for scband-hetero-forecast-sage-conv-32512902430768 (READ-ONLY COPY).

The authoritative reference and input builder live on the scoring server;
editing this copy changes nothing except your own understanding.
"""

import jax, jax.numpy as jnp
import numpy as np

N = 10000
E = 160000
D = 256
EPS = 1e-5


def setup_inputs(seed: int = 0) -> dict:
    key = jax.random.key(seed)
    ks = jax.random.split(key, 12)
    s = 1.0 / np.sqrt(D)
    inp = {}
    inp["x_target"] = jax.random.normal(ks[0], (N, D), dtype=jnp.float32)
    inp["x_context"] = jax.random.normal(ks[1], (N, D), dtype=jnp.float32)
    inp["edge_index_tt"] = jax.random.randint(ks[2], (2, E), 0, N, dtype=jnp.int32)
    inp["edge_index_ct"] = jax.random.randint(ks[3], (2, E), 0, N, dtype=jnp.int32)
    # SAGEConv target->target: lin_l (with bias) applied to aggregated neighbors, lin_r (no bias) to root
    inp["Wl_tt"] = jax.random.uniform(ks[4], (D, D), jnp.float32, -s, s)
    inp["bl_tt"] = jax.random.uniform(ks[5], (D,), jnp.float32, -s, s)
    inp["Wr_tt"] = jax.random.uniform(ks[6], (D, D), jnp.float32, -s, s)
    # SAGEConv context->target: bias=False
    inp["Wl_ct"] = jax.random.uniform(ks[7], (D, D), jnp.float32, -s, s)
    inp["Wr_ct"] = jax.random.uniform(ks[8], (D, D), jnp.float32, -s, s)
    # LayerNorm (node mode) affine params for target node type
    inp["ln_w"] = jnp.ones((D,), dtype=jnp.float32)
    inp["ln_b"] = jnp.zeros((D,), dtype=jnp.float32)
    return inp


def _sage(x_src, x_dst, edge_index, Wl, bl, Wr):
    src = edge_index[0]
    dst = edge_index[1]
    msg = jnp.take(x_src, src, axis=0)
    agg = jax.ops.segment_sum(msg, dst, num_segments=x_dst.shape[0])
    cnt = jax.ops.segment_sum(jnp.ones((edge_index.shape[1],), dtype=x_src.dtype), dst, num_segments=x_dst.shape[0])
    agg = agg / jnp.clip(cnt, 1.0, None)[:, None]
    out = agg @ Wl
    if bl is not None:
        out = out + bl
    out = out + x_dst @ Wr
    return out


def _layer_norm(x, w, b):
    mu = jnp.mean(x, axis=-1, keepdims=True)
    var = jnp.mean((x - mu) ** 2, axis=-1, keepdims=True)
    return (x - mu) / jnp.sqrt(var + EPS) * w + b


def reference(x_target, x_context, edge_index_tt, edge_index_ct, Wl_tt, bl_tt, Wr_tt, Wl_ct, Wr_ct, ln_w, ln_b):
    out_tt = _sage(x_target, x_target, edge_index_tt, Wl_tt, bl_tt, Wr_tt)
    out_ct = _sage(x_context, x_target, edge_index_ct, Wl_ct, None, Wr_ct)
    h = out_tt + out_ct  # HeteroConv default sum aggregation over relations
    # dropout is identity in eval mode
    h = jax.nn.relu(h)
    h = _layer_norm(h, ln_w, ln_b)
    return h

if __name__ == "__main__":
    import jax
    _d = setup_inputs()
    print(jax.jit(kernel)(*tuple(_d.values())))

</pallas_src>

<mosaic_0001>
#map = affine_map<(d0, d1) -> (0, 0)>
#map1 = affine_map<(d0, d1) -> (0)>
module attributes {stable_mosaic.version = 14 : i64} {
  func.func @_sc_segment_sums(%arg0: i32, %arg1: i32, %arg2: memref<10000x128xf32, #tpu.memory_space<hbm>>, %arg3: memref<10000x128xf32, #tpu.memory_space<hbm>>, %arg4: memref<10000x128xf32, #tpu.memory_space<hbm>>, %arg5: memref<10000x128xf32, #tpu.memory_space<hbm>>, %arg6: memref<163840xi32, #tpu.memory_space<hbm>>, %arg7: memref<163840xi32, #tpu.memory_space<hbm>>, %arg8: memref<163840xi32, #tpu.memory_space<hbm>>, %arg9: memref<163840xi32, #tpu.memory_space<hbm>>, %arg10: memref<10240x128xf32, #tpu.memory_space<hbm>>, %arg11: memref<128x128xf32, #tpu.memory_space<hbm>>, %arg12: memref<10240x128xf32, #tpu.memory_space<hbm>>, %arg13: memref<10240x128xf32, #tpu.memory_space<hbm>>, %arg14: memref<10240x128xf32, #tpu.memory_space<hbm>>, %arg15: memref<10240x128xf32, #tpu.memory_space<hbm>>, %arg16: memref<10240x128xf32, #tpu.memory_space<hbm>>, %arg17: memref<10240x128xf32, #tpu.memory_space<hbm>>, %arg18: memref<10240x128xf32, #tpu.memory_space<vmem_shared>>, %arg19: memref<128xi32, #tpu.memory_space<vmem>>, %arg20: memref<128xi32, #tpu.memory_space<vmem>>, %arg21: memref<128xi32, #tpu.memory_space<vmem>>, %arg22: memref<128xi32, #tpu.memory_space<vmem>>, %arg23: memref<128x128xf32, #tpu.memory_space<vmem>>, %arg24: memref<128x128xf32, #tpu.memory_space<vmem>>, %arg25: memref<!tpu.dma_semaphore, #tpu.memory_space<semaphore_mem>>, %arg26: memref<!tpu.dma_semaphore, #tpu.memory_space<semaphore_mem>>, %arg27: memref<!tpu.dma_semaphore, #tpu.memory_space<semaphore_mem>>, %arg28: memref<!tpu.dma_semaphore, #tpu.memory_space<semaphore_mem>>, %arg29: memref<!tpu.dma_semaphore, #tpu.memory_space<semaphore_mem>>, %arg30: memref<!tpu.dma_semaphore, #tpu.memory_space<semaphore_mem>>, %arg31: memref<!tpu.dma_semaphore, #tpu.memory_space<semaphore_mem>>, %arg32: memref<!tpu.dma_semaphore, #tpu.memory_space<semaphore_mem>>) attributes {dimension_semantics = [#tpu.dimension_semantics<core_parallel>, #tpu.dimension_semantics<subcore_parallel>], iteration_bounds = array<i64: 2, 16>, scalar_prefetch = 0 : i64, scratch_operands = 15 : i64, tpu.core_type = #tpu.core_type<sc_vector_subcore>, window_params = [{transform_indices = #map}, {transform_indices = #map}, {transform_indices = #map}, {transform_indices = #map}, {transform_indices = #map1}, {transform_indices = #map1}, {transform_indices = #map1}, {transform_indices = #map1}, {transform_indices = #map}, {transform_indices = #map}, {transform_indices = #map}, {transform_indices = #map}, {transform_indices = #map}, {transform_indices = #map}, {transform_indices = #map}, {transform_indices = #map}]} {
    %mul3A = arith.constant 640 : i32
    %mul3A_0 = arith.muli %arg1, %mul3A : i32
    "tpu.region"() ({
      %run_scoped3A = tpu.sem_alloc : memref<!tpu.dma_semaphore, #tpu.memory_space<semaphore_mem>>
      %dma_start3A = arith.constant 0 : i32
      %dma_start3A_63 = tpu.memref_slice %arg18[%mul3A_0, %dma_start3A] : memref<10240x128xf32, #tpu.memory_space<vmem_shared>> -> memref<640x128xf32, #tpu.memory_space<vmem_shared>>
      %dma_start3A_64 = arith.constant 0 : i32
      %dma_start3A_65 = tpu.memref_slice %arg10[%mul3A_0, %dma_start3A_64] : memref<10240x128xf32, #tpu.memory_space<hbm>> -> memref<640x128xf32, #tpu.memory_space<hbm>>
      tpu.enqueue_dma source(%dma_start3A_65 : memref<640x128xf32, #tpu.memory_space<hbm>>) target(%dma_start3A_63 : memref<640x128xf32, #tpu.memory_space<vmem_shared>>) target_semaphore(%run_scoped3A : memref<!tpu.dma_semaphore, #tpu.memory_space<semaphore_mem>>)
      %dma_wait3A = arith.constant 0 : i32
      %dma_wait3A_66 = tpu.memref_slice %arg18[%mul3A_0, %dma_wait3A] : memref<10240x128xf32, #tpu.memory_space<vmem_shared>> -> memref<640x128xf32, #tpu.memory_space<vmem_shared>>
      %dma_wait3A_67 = arith.constant 0 : i32
      %dma_wait3A_68 = tpu.memref_slice %arg10[%mul3A_0, %dma_wait3A_67] : memref<10240x128xf32, #tpu.memory_space<hbm>> -> memref<640x128xf32, #tpu.memory_space<hbm>>
      tpu.wait_dma2 semaphore(%run_scoped3A : memref<!tpu.dma_semaphore, #tpu.memory_space<semaphore_mem>>) src(%dma_wait3A_68 : memref<640x128xf32, #tpu.memory_space<hbm>>) dst(%dma_wait3A_66 : memref<640x128xf32, #tpu.memory_space<vmem_shared>>)
      tpu.yield
    }) : () -> ()
    "tpu.region"() ({
      %run_scoped3A = tpu.sem_alloc : memref<!tpu.dma_semaphore, #tpu.memory_space<semaphore_mem>>
      tpu.enqueue_dma source(%arg11 : memref<128x128xf32, #tpu.memory_space<hbm>>) target(%arg24 : memref<128x128xf32, #tpu.memory_space<vmem>>) target_semaphore(%run_scoped3A : memref<!tpu.dma_semaphore, #tpu.memory_space<semaphore_mem>>)
      tpu.wait_dma2 semaphore(%run_scoped3A : memref<!tpu.dma_semaphore, #tpu.memory_space<semaphore_mem>>) src(%arg11 : memref<128x128xf32, #tpu.memory_space<hbm>>) dst(%arg24 : memref<128x128xf32, #tpu.memory_space<vmem>>)
      tpu.yield
    }) : () -> ()
    %barrier3A = arith.constant 0 : index
    tpu.barrier barrier_id(%barrier3A)
    %eq3A = arith.constant 0 : i32
    %eq3A_1 = arith.cmpi eq, %arg0, %eq3A : i32
    %convert_element_type3A = arith.extui %eq3A_1 : i1 to i32
    %cond3A = arith.constant 0 : i32
    %cond3A_2 = arith.cmpi ne, %convert_element_type3A, %cond3A : i32
    scf.if %cond3A_2 {
      %scan3A = arith.constant 0 : i32
      %scan3A_63 = arith.constant 40 : i32
      %scan3A_64 = arith.addi %scan3A, %scan3A_63 : i32
      %scan3A_65 = arith.constant 1 : i32
      scf.for %scan3A_72 = %scan3A to %scan3A_64 step %scan3A_65  : i32 {
        %mul3A_73 = arith.constant 2 : i32
        %mul3A_74 = arith.muli %scan3A_72, %mul3A_73 : i32
        %add3A = arith.constant 0 : i32
        %add3A_75 = arith.addi %add3A, %mul3A_74 : i32
        %mul3A_76 = arith.constant 80 : i32
        %mul3A_77 = arith.muli %arg1, %mul3A_76 : i32
        %add3A_78 = arith.addi %mul3A_77, %add3A_75 : i32
        %mul3A_79 = arith.constant 128 : i32
        %mul3A_80 = arith.muli %add3A_78, %mul3A_79 : i32
        %gt3A = arith.constant 0 : i32
        %gt3A_81 = arith.cmpi sgt, %add3A_75, %gt3A : i32
        %convert_element_type3A_82 = arith.extui %gt3A_81 : i1 to i32
        %cond3A_83 = arith.constant 0 : i32
        %cond3A_84 = arith.cmpi ne, %convert_element_type3A_82, %cond3A_83 : i32
        scf.if %cond3A_84 {
          %dma_wait3A_100 = arith.constant 0 : i32
          %dma_wait3A_101 = arith.constant 0 : i32
          %dma_wait3A_102 = tpu.memref_slice %arg18[%dma_wait3A_100, %dma_wait3A_101] : memref<10240x128xf32, #tpu.memory_space<vmem_shared>> -> memref<10240x128xf32, #tpu.memory_space<vmem_shared>>
          tpu.wait_indirect_dma semaphore(%arg31 : memref<!tpu.dma_semaphore, #tpu.memory_space<semaphore_mem>>) src(%arg24 : memref<128x128xf32, #tpu.memory_space<vmem>>) dst(%dma_wait3A_102 : memref<10240x128xf32, #tpu.memory_space<vmem_shared>>)
          %dma_wait3A_103 = arith.constant 0 : i32
          %dma_wait3A_104 = arith.constant 0 : i32
          %dma_wait3A_105 = tpu.memref_slice %arg18[%dma_wait3A_103, %dma_wait3A_104] : memref<10240x128xf32, #tpu.memory_space<vmem_shared>> -> memref<10240x128xf32, #tpu.memory_space<vmem_shared>>
          tpu.wait_indirect_dma semaphore(%arg32 : memref<!tpu.dma_semaphore, #tpu.memory_space<semaphore_mem>>) src(%arg24 : memref<128x128xf32, #tpu.memory_space<vmem>>) dst(%dma_wait3A_105 : memref<10240x128xf32, #tpu.memory_space<vmem_shared>>)
        } else {
        }
        %dma_start3A = tpu.memref_slice %arg7[%mul3A_80] : memref<163840xi32, #tpu.memory_space<hbm>> -> memref<128xi32, #tpu.memory_space<hbm>>
        %dma_start3A_85 = tpu.memref_slice %arg7[%mul3A_80] : memref<163840xi32, #tpu.memory_space<hbm>> -> memref<128xi32, #tpu.memory_space<hbm>>
        tpu.enqueue_dma source(%dma_start3A_85 : memref<128xi32, #tpu.memory_space<hbm>>) target(%arg21 : memref<128xi32, #tpu.memory_space<vmem>>) target_semaphore(%arg27 : memref<!tpu.dma_semaphore, #tpu.memory_space<semaphore_mem>>)
        %add3A_86 = arith.constant 128 : i32
        %add3A_87 = arith.addi %mul3A_80, %add3A_86 : i32
        %dma_start3A_88 = tpu.memref_slice %arg7[%add3A_87] : memref<163840xi32, #tpu.memory_space<hbm>> -> memref<128xi32, #tpu.memory_space<hbm>>
        %dma_start3A_89 = tpu.memref_slice %arg7[%add3A_87] : memref<163840xi32, #tpu.memory_space<hbm>> -> memref<128xi32, #tpu.memory_space<hbm>>
        tpu.enqueue_dma source(%dma_start3A_89 : memref<128xi32, #tpu.memory_space<hbm>>) target(%arg22 : memref<128xi32, #tpu.memory_space<vmem>>) target_semaphore(%arg28 : memref<!tpu.dma_semaphore, #tpu.memory_space<semaphore_mem>>)
        %dma_wait3A_90 = tpu.memref_slice %arg7[%mul3A_80] : memref<163840xi32, #tpu.memory_space<hbm>> -> memref<128xi32, #tpu.memory_space<hbm>>
        %dma_wait3A_91 = tpu.memref_slice %arg7[%mul3A_80] : memref<163840xi32, #tpu.memory_space<hbm>> -> memref<128xi32, #tpu.memory_space<hbm>>
        tpu.wait_dma2 semaphore(%arg27 : memref<!tpu.dma_semaphore, #tpu.memory_space<semaphore_mem>>) src(%dma_wait3A_91 : memref<128xi32, #tpu.memory_space<hbm>>) dst(%arg21 : memref<128xi32, #tpu.memory_space<vmem>>)
        %dma_start3A_92 = arith.constant 0 : i32
        %dma_start3A_93 = arith.constant 0 : i32
        %dma_start3A_94 = tpu.memref_slice %arg18[%dma_start3A_92, %dma_start3A_93] : memref<10240x128xf32, #tpu.memory_space<vmem_shared>> -> memref<10240x128xf32, #tpu.memory_space<vmem_shared>>
        tpu.enqueue_indirect_dma source(%arg24 : memref<128x128xf32, #tpu.memory_space<vmem>>) target(%dma_start3A_94 : memref<10240x128xf32, #tpu.memory_space<vmem_shared>>) offsets(%arg21 : memref<128xi32, #tpu.memory_space<vmem>>) semaphore(%arg31 : memref<!tpu.dma_semaphore, #tpu.memory_space<semaphore_mem>>) {add = true}
        %dma_wait3A_95 = tpu.memref_slice %arg7[%add3A_87] : memref<163840xi32, #tpu.memory_space<hbm>> -> memref<128xi32, #tpu.memory_space<hbm>>
        %dma_wait3A_96 = tpu.memref_slice %arg7[%add3A_87] : memref<163840xi32, #tpu.memory_space<hbm>> -> memref<128xi32, #tpu.memory_space<hbm>>
        tpu.wait_dma2 semaphore(%arg28 : memref<!tpu.dma_semaphore, #tpu.memory_space<semaphore_mem>>) src(%dma_wait3A_96 : memref<128xi32, #tpu.memory_space<hbm>>) dst(%arg22 : memref<128xi32, #tpu.memory_space<vmem>>)
        %dma_start3A_97 = arith.constant 0 : i32
        %dma_start3A_98 = arith.constant 0 : i32
        %dma_start3A_99 = tpu.memref_slice %arg18[%dma_start3A_97, %dma_start3A_98] : memref<10240x128xf32, #tpu.memory_space<vmem_shared>> -> memref<10240x128xf32, #tpu.memory_space<vmem_shared>>
        tpu.enqueue_indirect_dma source(%arg24 : memref<128x128xf32, #tpu.memory_space<vmem>>) target(%dma_start3A_99 : memref<10240x128xf32, #tpu.memory_space<vmem_shared>>) offsets(%arg22 : memref<128xi32, #tpu.memory_space<vmem>>) semaphore(%arg32 : memref<!tpu.dma_semaphore, #tpu.memory_space<semaphore_mem>>) {add = true}
      }
      %scan3A_66 = arith.constant 40 : i32
      %dma_wait3A = arith.constant 0 : i32
      %dma_wait3A_67 = arith.constant 0 : i32
      %dma_wait3A_68 = tpu.memref_slice %arg18[%dma_wait3A, %dma_wait3A_67] : memref<10240x128xf32, #tpu.memory_space<vmem_shared>> -> memref<10240x128xf32, #tpu.memory_space<vmem_shared>>
      tpu.wait_indirect_dma semaphore(%arg31 : memref<!tpu.dma_semaphore, #tpu.memory_space<semaphore_mem>>) src(%arg24 : memref<128x128xf32, #tpu.memory_space<vmem>>) dst(%dma_wait3A_68 : memref<10240x128xf32, #tpu.memory_space<vmem_shared>>)
      %dma_wait3A_69 = arith.constant 0 : i32
      %dma_wait3A_70 = arith.constant 0 : i32
      %dma_wait3A_71 = tpu.memref_slice %arg18[%dma_wait3A_69, %dma_wait3A_70] : memref<10240x128xf32, #tpu.memory_space<vmem_shared>> -> memref<10240x128xf32, #tpu.memory_space<vmem_shared>>
      tpu.wait_indirect_dma semaphore(%arg32 : memref<!tpu.dma_semaphore, #tpu.memory_space<semaphore_mem>>) src(%arg24 : memref<128x128xf32, #tpu.memory_space<vmem>>) dst(%dma_wait3A_71 : memref<10240x128xf32, #tpu.memory_space<vmem_shared>>)
    } else {
    }
    %eq3A_3 = arith.constant 1 : i32
    %eq3A_4 = arith.cmpi eq, %arg0, %eq3A_3 : i32
    %convert_element_type3A_5 = arith.extui %eq3A_4 : i1 to i32
    %cond3A_6 = arith.constant 0 : i32
    %cond3A_7 = arith.cmpi ne, %convert_element_type3A_5, %cond3A_6 : i32
    scf.if %cond3A_7 {
      %scan3A = arith.constant 0 : i32
      %scan3A_63 = arith.constant 40 : i32
      %scan3A_64 = arith.addi %scan3A, %scan3A_63 : i32
      %scan3A_65 = arith.constant 1 : i32
      scf.for %scan3A_72 = %scan3A to %scan3A_64 step %scan3A_65  : i32 {
        %mul3A_73 = arith.constant 2 : i32
        %mul3A_74 = arith.muli %scan3A_72, %mul3A_73 : i32
        %add3A = arith.constant 0 : i32
        %add3A_75 = arith.addi %add3A, %mul3A_74 : i32
        %mul3A_76 = arith.constant 80 : i32
        %mul3A_77 = arith.muli %arg1, %mul3A_76 : i32
        %add3A_78 = arith.addi %mul3A_77, %add3A_75 : i32
        %mul3A_79 = arith.constant 128 : i32
        %mul3A_80 = arith.muli %add3A_78, %mul3A_79 : i32
        %gt3A = arith.constant 0 : i32
        %gt3A_81 = arith.cmpi sgt, %add3A_75, %gt3A : i32
        %convert_element_type3A_82 = arith.extui %gt3A_81 : i1 to i32
        %cond3A_83 = arith.constant 0 : i32
        %cond3A_84 = arith.cmpi ne, %convert_element_type3A_82, %cond3A_83 : i32
        scf.if %cond3A_84 {
          %dma_wait3A_100 = arith.constant 0 : i32
          %dma_wait3A_101 = arith.constant 0 : i32
          %dma_wait3A_102 = tpu.memref_slice %arg18[%dma_wait3A_100, %dma_wait3A_101] : memref<10240x128xf32, #tpu.memory_space<vmem_shared>> -> memref<10240x128xf32, #tpu.memory_space<vmem_shared>>
          tpu.wait_indirect_dma semaphore(%arg31 : memref<!tpu.dma_semaphore, #tpu.memory_space<semaphore_mem>>) src(%arg24 : memref<128x128xf32, #tpu.memory_space<vmem>>) dst(%dma_wait3A_102 : memref<10240x128xf32, #tpu.memory_space<vmem_shared>>)
          %dma_wait3A_103 = arith.constant 0 : i32
          %dma_wait3A_104 = arith.constant 0 : i32
          %dma_wait3A_105 = tpu.memref_slice %arg18[%dma_wait3A_103, %dma_wait3A_104] : memref<10240x128xf32, #tpu.memory_space<vmem_shared>> -> memref<10240x128xf32, #tpu.memory_space<vmem_shared>>
          tpu.wait_indirect_dma semaphore(%arg32 : memref<!tpu.dma_semaphore, #tpu.memory_space<semaphore_mem>>) src(%arg24 : memref<128x128xf32, #tpu.memory_space<vmem>>) dst(%dma_wait3A_105 : memref<10240x128xf32, #tpu.memory_space<vmem_shared>>)
        } else {
        }
        %dma_start3A = tpu.memref_slice %arg9[%mul3A_80] : memref<163840xi32, #tpu.memory_space<hbm>> -> memref<128xi32, #tpu.memory_space<hbm>>
        %dma_start3A_85 = tpu.memref_slice %arg9[%mul3A_80] : memref<163840xi32, #tpu.memory_space<hbm>> -> memref<128xi32, #tpu.memory_space<hbm>>
        tpu.enqueue_dma source(%dma_start3A_85 : memref<128xi32, #tpu.memory_space<hbm>>) target(%arg21 : memref<128xi32, #tpu.memory_space<vmem>>) target_semaphore(%arg27 : memref<!tpu.dma_semaphore, #tpu.memory_space<semaphore_mem>>)
        %add3A_86 = arith.constant 128 : i32
        %add3A_87 = arith.addi %mul3A_80, %add3A_86 : i32
        %dma_start3A_88 = tpu.memref_slice %arg9[%add3A_87] : memref<163840xi32, #tpu.memory_space<hbm>> -> memref<128xi32, #tpu.memory_space<hbm>>
        %dma_start3A_89 = tpu.memref_slice %arg9[%add3A_87] : memref<163840xi32, #tpu.memory_space<hbm>> -> memref<128xi32, #tpu.memory_space<hbm>>
        tpu.enqueue_dma source(%dma_start3A_89 : memref<128xi32, #tpu.memory_space<hbm>>) target(%arg22 : memref<128xi32, #tpu.memory_space<vmem>>) target_semaphore(%arg28 : memref<!tpu.dma_semaphore, #tpu.memory_space<semaphore_mem>>)
        %dma_wait3A_90 = tpu.memref_slice %arg9[%mul3A_80] : memref<163840xi32, #tpu.memory_space<hbm>> -> memref<128xi32, #tpu.memory_space<hbm>>
        %dma_wait3A_91 = tpu.memref_slice %arg9[%mul3A_80] : memref<163840xi32, #tpu.memory_space<hbm>> -> memref<128xi32, #tpu.memory_space<hbm>>
        tpu.wait_dma2 semaphore(%arg27 : memref<!tpu.dma_semaphore, #tpu.memory_space<semaphore_mem>>) src(%dma_wait3A_91 : memref<128xi32, #tpu.memory_space<hbm>>) dst(%arg21 : memref<128xi32, #tpu.memory_space<vmem>>)
        %dma_start3A_92 = arith.constant 0 : i32
        %dma_start3A_93 = arith.constant 0 : i32
        %dma_start3A_94 = tpu.memref_slice %arg18[%dma_start3A_92, %dma_start3A_93] : memref<10240x128xf32, #tpu.memory_space<vmem_shared>> -> memref<10240x128xf32, #tpu.memory_space<vmem_shared>>
        tpu.enqueue_indirect_dma source(%arg24 : memref<128x128xf32, #tpu.memory_space<vmem>>) target(%dma_start3A_94 : memref<10240x128xf32, #tpu.memory_space<vmem_shared>>) offsets(%arg21 : memref<128xi32, #tpu.memory_space<vmem>>) semaphore(%arg31 : memref<!tpu.dma_semaphore, #tpu.memory_space<semaphore_mem>>) {add = true}
        %dma_wait3A_95 = tpu.memref_slice %arg9[%add3A_87] : memref<163840xi32, #tpu.memory_space<hbm>> -> memref<128xi32, #tpu.memory_space<hbm>>
        %dma_wait3A_96 = tpu.memref_slice %arg9[%add3A_87] : memref<163840xi32, #tpu.memory_space<hbm>> -> memref<128xi32, #tpu.memory_space<hbm>>
        tpu.wait_dma2 semaphore(%arg28 : memref<!tpu.dma_semaphore, #tpu.memory_space<semaphore_mem>>) src(%dma_wait3A_96 : memref<128xi32, #tpu.memory_space<hbm>>) dst(%arg22 : memref<128xi32, #tpu.memory_space<vmem>>)
        %dma_start3A_97 = arith.constant 0 : i32
        %dma_start3A_98 = arith.constant 0 : i32
        %dma_start3A_99 = tpu.memref_slice %arg18[%dma_start3A_97, %dma_start3A_98] : memref<10240x128xf32, #tpu.memory_space<vmem_shared>> -> memref<10240x128xf32, #tpu.memory_space<vmem_shared>>
        tpu.enqueue_indirect_dma source(%arg24 : memref<128x128xf32, #tpu.memory_space<vmem>>) target(%dma_start3A_99 : memref<10240x128xf32, #tpu.memory_space<vmem_shared>>) offsets(%arg22 : memref<128xi32, #tpu.memory_space<vmem>>) semaphore(%arg32 : memref<!tpu.dma_semaphore, #tpu.memory_space<semaphore_mem>>) {add = true}
      }
      %scan3A_66 = arith.constant 40 : i32
      %dma_wait3A = arith.constant 0 : i32
      %dma_wait3A_67 = arith.constant 0 : i32
      %dma_wait3A_68 = tpu.memref_slice %arg18[%dma_wait3A, %dma_wait3A_67] : memref<10240x128xf32, #tpu.memory_space<vmem_shared>> -> memref<10240x128xf32, #tpu.memory_space<vmem_shared>>
      tpu.wait_indirect_dma semaphore(%arg31 : memref<!tpu.dma_semaphore, #tpu.memory_space<semaphore_mem>>) src(%arg24 : memref<128x128xf32, #tpu.memory_space<vmem>>) dst(%dma_wait3A_68 : memref<10240x128xf32, #tpu.memory_space<vmem_shared>>)
      %dma_wait3A_69 = arith.constant 0 : i32
      %dma_wait3A_70 = arith.constant 0 : i32
      %dma_wait3A_71 = tpu.memref_slice %arg18[%dma_wait3A_69, %dma_wait3A_70] : memref<10240x128xf32, #tpu.memory_space<vmem_shared>> -> memref<10240x128xf32, #tpu.memory_space<vmem_shared>>
      tpu.wait_indirect_dma semaphore(%arg32 : memref<!tpu.dma_semaphore, #tpu.memory_space<semaphore_mem>>) src(%arg24 : memref<128x128xf32, #tpu.memory_space<vmem>>) dst(%dma_wait3A_71 : memref<10240x128xf32, #tpu.memory_space<vmem_shared>>)
    } else {
    }
    %barrier3A_8 = arith.constant 0 : index
    tpu.barrier barrier_id(%barrier3A_8)
    %eq3A_9 = arith.constant 0 : i32
    %eq3A_10 = arith.cmpi eq, %arg0, %eq3A_9 : i32
    %convert_element_type3A_11 = arith.extui %eq3A_10 : i1 to i32
    %cond3A_12 = arith.constant 0 : i32
    %cond3A_13 = arith.cmpi ne, %convert_element_type3A_11, %cond3A_12 : i32
    scf.if %cond3A_13 {
      "tpu.region"() ({
        %run_scoped3A = tpu.sem_alloc : memref<!tpu.dma_semaphore, #tpu.memory_space<semaphore_mem>>
        %dma_start3A = arith.constant 0 : i32
        %dma_start3A_63 = tpu.memref_slice %arg16[%mul3A_0, %dma_start3A] : memref<10240x128xf32, #tpu.memory_space<hbm>> -> memref<640x128xf32, #tpu.memory_space<hbm>>
        %dma_start3A_64 = arith.constant 0 : i32
        %dma_start3A_65 = tpu.memref_slice %arg18[%mul3A_0, %dma_start3A_64] : memref<10240x128xf32, #tpu.memory_space<vmem_shared>> -> memref<640x128xf32, #tpu.memory_space<vmem_shared>>
        tpu.enqueue_dma source(%dma_start3A_65 : memref<640x128xf32, #tpu.memory_space<vmem_shared>>) target(%dma_start3A_63 : memref<640x128xf32, #tpu.memory_space<hbm>>) target_semaphore(%run_scoped3A : memref<!tpu.dma_semaphore, #tpu.memory_space<semaphore_mem>>)
        %dma_wait3A = arith.constant 0 : i32
        %dma_wait3A_66 = tpu.memref_slice %arg16[%mul3A_0, %dma_wait3A] : memref<10240x128xf32, #tpu.memory_space<hbm>> -> memref<640x128xf32, #tpu.memory_space<hbm>>
        %dma_wait3A_67 = arith.constant 0 : i32
        %dma_wait3A_68 = tpu.memref_slice %arg18[%mul3A_0, %dma_wait3A_67] : memref<10240x128xf32, #tpu.memory_space<vmem_shared>> -> memref<640x128xf32, #tpu.memory_space<vmem_shared>>
        tpu.wait_dma2 semaphore(%run_scoped3A : memref<!tpu.dma_semaphore, #tpu.memory_space<semaphore_mem>>) src(%dma_wait3A_68 : memref<640x128xf32, #tpu.memory_space<vmem_shared>>) dst(%dma_wait3A_66 : memref<640x128xf32, #tpu.memory_space<hbm>>)
        tpu.yield
      }) : () -> ()
    } else {
    }
    %eq3A_14 = arith.constant 1 : i32
    %eq3A_15 = arith.cmpi eq, %arg0, %eq3A_14 : i32
    %convert_element_type3A_16 = arith.extui %eq3A_15 : i1 to i32
    %cond3A_17 = arith.constant 0 : i32
    %cond3A_18 = arith.cmpi ne, %convert_element_type3A_16, %cond3A_17 : i32
    scf.if %cond3A_18 {
      "tpu.region"() ({
        %run_scoped3A = tpu.sem_alloc : memref<!tpu.dma_semaphore, #tpu.memory_space<semaphore_mem>>
        %dma_start3A = arith.constant 0 : i32
        %dma_start3A_63 = tpu.memref_slice %arg17[%mul3A_0, %dma_start3A] : memref<10240x128xf32, #tpu.memory_space<hbm>> -> memref<640x128xf32, #tpu.memory_space<hbm>>
        %dma_start3A_64 = arith.constant 0 : i32
        %dma_start3A_65 = tpu.memref_slice %arg18[%mul3A_0, %dma_start3A_64] : memref<10240x128xf32, #tpu.memory_space<vmem_shared>> -> memref<640x128xf32, #tpu.memory_space<vmem_shared>>
        tpu.enqueue_dma source(%dma_start3A_65 : memref<640x128xf32, #tpu.memory_space<vmem_shared>>) target(%dma_start3A_63 : memref<640x128xf32, #tpu.memory_space<hbm>>) target_semaphore(%run_scoped3A : memref<!tpu.dma_semaphore, #tpu.memory_space<semaphore_mem>>)
        %dma_wait3A = arith.constant 0 : i32
        %dma_wait3A_66 = tpu.memref_slice %arg17[%mul3A_0, %dma_wait3A] : memref<10240x128xf32, #tpu.memory_space<hbm>> -> memref<640x128xf32, #tpu.memory_space<hbm>>
        %dma_wait3A_67 = arith.constant 0 : i32
        %dma_wait3A_68 = tpu.memref_slice %arg18[%mul3A_0, %dma_wait3A_67] : memref<10240x128xf32, #tpu.memory_space<vmem_shared>> -> memref<640x128xf32, #tpu.memory_space<vmem_shared>>
        tpu.wait_dma2 semaphore(%run_scoped3A : memref<!tpu.dma_semaphore, #tpu.memory_space<semaphore_mem>>) src(%dma_wait3A_68 : memref<640x128xf32, #tpu.memory_space<vmem_shared>>) dst(%dma_wait3A_66 : memref<640x128xf32, #tpu.memory_space<hbm>>)
        tpu.yield
      }) : () -> ()
    } else {
    }
    "tpu.region"() ({
      %run_scoped3A = tpu.sem_alloc : memref<!tpu.dma_semaphore, #tpu.memory_space<semaphore_mem>>
      %dma_start3A = arith.constant 0 : i32
      %dma_start3A_63 = tpu.memref_slice %arg18[%mul3A_0, %dma_start3A] : memref<10240x128xf32, #tpu.memory_space<vmem_shared>> -> memref<640x128xf32, #tpu.memory_space<vmem_shared>>
      %dma_start3A_64 = arith.constant 0 : i32
      %dma_start3A_65 = tpu.memref_slice %arg10[%mul3A_0, %dma_start3A_64] : memref<10240x128xf32, #tpu.memory_space<hbm>> -> memref<640x128xf32, #tpu.memory_space<hbm>>
      tpu.enqueue_dma source(%dma_start3A_65 : memref<640x128xf32, #tpu.memory_space<hbm>>) target(%dma_start3A_63 : memref<640x128xf32, #tpu.memory_space<vmem_shared>>) target_semaphore(%run_scoped3A : memref<!tpu.dma_semaphore, #tpu.memory_space<semaphore_mem>>)
      %dma_wait3A = arith.constant 0 : i32
      %dma_wait3A_66 = tpu.memref_slice %arg18[%mul3A_0, %dma_wait3A] : memref<10240x128xf32, #tpu.memory_space<vmem_shared>> -> memref<640x128xf32, #tpu.memory_space<vmem_shared>>
      %dma_wait3A_67 = arith.constant 0 : i32
      %dma_wait3A_68 = tpu.memref_slice %arg10[%mul3A_0, %dma_wait3A_67] : memref<10240x128xf32, #tpu.memory_space<hbm>> -> memref<640x128xf32, #tpu.memory_space<hbm>>
      tpu.wait_dma2 semaphore(%run_scoped3A : memref<!tpu.dma_semaphore, #tpu.memory_space<semaphore_mem>>) src(%dma_wait3A_68 : memref<640x128xf32, #tpu.memory_space<hbm>>) dst(%dma_wait3A_66 : memref<640x128xf32, #tpu.memory_space<vmem_shared>>)
      tpu.yield
    }) : () -> ()
    %barrier3A_19 = arith.constant 0 : index
    tpu.barrier barrier_id(%barrier3A_19)
    %eq3A_20 = arith.constant 0 : i32
    %eq3A_21 = arith.cmpi eq, %arg0, %eq3A_20 : i32
    %convert_element_type3A_22 = arith.extui %eq3A_21 : i1 to i32
    %cond3A_23 = arith.constant 0 : i32
    %cond3A_24 = arith.cmpi ne, %convert_element_type3A_22, %cond3A_23 : i32
    scf.if %cond3A_24 {
      %scan3A = arith.constant 0 : i32
      %scan3A_63 = arith.constant 40 : i32
      %scan3A_64 = arith.addi %scan3A, %scan3A_63 : i32
      %scan3A_65 = arith.constant 1 : i32
      scf.for %scan3A_72 = %scan3A to %scan3A_64 step %scan3A_65  : i32 {
        %mul3A_73 = arith.constant 2 : i32
        %mul3A_74 = arith.muli %scan3A_72, %mul3A_73 : i32
        %add3A = arith.constant 0 : i32
        %add3A_75 = arith.addi %add3A, %mul3A_74 : i32
        %mul3A_76 = arith.constant 80 : i32
        %mul3A_77 = arith.muli %arg1, %mul3A_76 : i32
        %add3A_78 = arith.addi %mul3A_77, %add3A_75 : i32
        %mul3A_79 = arith.constant 128 : i32
        %mul3A_80 = arith.muli %add3A_78, %mul3A_79 : i32
        %gt3A = arith.constant 0 : i32
        %gt3A_81 = arith.cmpi sgt, %add3A_75, %gt3A : i32
        %convert_element_type3A_82 = arith.extui %gt3A_81 : i1 to i32
        %cond3A_83 = arith.constant 0 : i32
        %cond3A_84 = arith.cmpi ne, %convert_element_type3A_82, %cond3A_83 : i32
        scf.if %cond3A_84 {
          %dma_wait3A_127 = arith.constant 0 : i32
          %dma_wait3A_128 = arith.constant 0 : i32
          %dma_wait3A_129 = tpu.memref_slice %arg18[%dma_wait3A_127, %dma_wait3A_128] : memref<10240x128xf32, #tpu.memory_space<vmem_shared>> -> memref<10240x128xf32, #tpu.memory_space<vmem_shared>>
          tpu.wait_indirect_dma semaphore(%arg31 : memref<!tpu.dma_semaphore, #tpu.memory_space<semaphore_mem>>) src(%arg23 : memref<128x128xf32, #tpu.memory_space<vmem>>) dst(%dma_wait3A_129 : memref<10240x128xf32, #tpu.memory_space<vmem_shared>>)
        } else {
        }
        %dma_start3A = tpu.memref_slice %arg6[%mul3A_80] : memref<163840xi32, #tpu.memory_space<hbm>> -> memref<128xi32, #tpu.memory_space<hbm>>
        %dma_start3A_85 = tpu.memref_slice %arg6[%mul3A_80] : memref<163840xi32, #tpu.memory_space<hbm>> -> memref<128xi32, #tpu.memory_space<hbm>>
        tpu.enqueue_dma source(%dma_start3A_85 : memref<128xi32, #tpu.memory_space<hbm>>) target(%arg19 : memref<128xi32, #tpu.memory_space<vmem>>) target_semaphore(%arg25 : memref<!tpu.dma_semaphore, #tpu.memory_space<semaphore_mem>>)
        %dma_start3A_86 = tpu.memref_slice %arg7[%mul3A_80] : memref<163840xi32, #tpu.memory_space<hbm>> -> memref<128xi32, #tpu.memory_space<hbm>>
        %dma_start3A_87 = tpu.memref_slice %arg7[%mul3A_80] : memref<163840xi32, #tpu.memory_space<hbm>> -> memref<128xi32, #tpu.memory_space<hbm>>
        tpu.enqueue_dma source(%dma_start3A_87 : memref<128xi32, #tpu.memory_space<hbm>>) target(%arg21 : memref<128xi32, #tpu.memory_space<vmem>>) target_semaphore(%arg27 : memref<!tpu.dma_semaphore, #tpu.memory_space<semaphore_mem>>)
        %gt3A_88 = arith.constant 0 : i32
        %gt3A_89 = arith.cmpi sgt, %add3A_75, %gt3A_88 : i32
        %convert_element_type3A_90 = arith.extui %gt3A_89 : i1 to i32
        %cond3A_91 = arith.constant 0 : i32
        %cond3A_92 = arith.cmpi ne, %convert_element_type3A_90, %cond3A_91 : i32
        scf.if %cond3A_92 {
          %dma_wait3A_127 = arith.constant 0 : i32
          %dma_wait3A_128 = arith.constant 0 : i32
          %dma_wait3A_129 = tpu.memref_slice %arg18[%dma_wait3A_127, %dma_wait3A_128] : memref<10240x128xf32, #tpu.memory_space<vmem_shared>> -> memref<10240x128xf32, #tpu.memory_space<vmem_shared>>
          tpu.wait_indirect_dma semaphore(%arg32 : memref<!tpu.dma_semaphore, #tpu.memory_space<semaphore_mem>>) src(%arg24 : memref<128x128xf32, #tpu.memory_space<vmem>>) dst(%dma_wait3A_129 : memref<10240x128xf32, #tpu.memory_space<vmem_shared>>)
        } else {
        }
        %add3A_93 = arith.constant 128 : i32
        %add3A_94 = arith.addi %mul3A_80, %add3A_93 : i32
        %dma_start3A_95 = tpu.memref_slice %arg6[%add3A_94] : memref<163840xi32, #tpu.memory_space<hbm>> -> memref<128xi32, #tpu.memory_space<hbm>>
        %dma_start3A_96 = tpu.memref_slice %arg6[%add3A_94] : memref<163840xi32, #tpu.memory_space<hbm>> -> memref<128xi32, #tpu.memory_space<hbm>>
        tpu.enqueue_dma source(%dma_start3A_96 : memref<128xi32, #tpu.memory_space<hbm>>) target(%arg20 : memref<128xi32, #tpu.memory_space<vmem>>) target_semaphore(%arg26 : memref<!tpu.dma_semaphore, #tpu.memory_space<semaphore_mem>>)
        %add3A_97 = arith.constant 128 : i32
        %add3A_98 = arith.addi %mul3A_80, %add3A_97 : i32
        %dma_start3A_99 = tpu.memref_slice %arg7[%add3A_98] : memref<163840xi32, #tpu.memory_space<hbm>> -> memref<128xi32, #tpu.memory_space<hbm>>
        %dma_start3A_100 = tpu.memref_slice %arg7[%add3A_98] : memref<163840xi32, #tpu.memory_space<hbm>> -> memref<128xi32, #tpu.memory_space<hbm>>
        tpu.enqueue_dma source(%dma_start3A_100 : memref<128xi32, #tpu.memory_space<hbm>>) target(%arg22 : memref<128xi32, #tpu.memory_space<vmem>>) target_semaphore(%arg28 : memref<!tpu.dma_semaphore, #tpu.memory_space<semaphore_mem>>)
        %dma_wait3A_101 = tpu.memref_slice %arg6[%mul3A_80] : memref<163840xi32, #tpu.memory_space<hbm>> -> memref<128xi32, #tpu.memory_space<hbm>>
        %dma_wait3A_102 = tpu.memref_slice %arg6[%mul3A_80] : memref<163840xi32, #tpu.memory_space<hbm>> -> memref<128xi32, #tpu.memory_space<hbm>>
        tpu.wait_dma2 semaphore(%arg25 : memref<!tpu.dma_semaphore, #tpu.memory_space<semaphore_mem>>) src(%dma_wait3A_102 : memref<128xi32, #tpu.memory_space<hbm>>) dst(%arg19 : memref<128xi32, #tpu.memory_space<vmem>>)
        %dma_start3A_103 = arith.constant 0 : i32
        %dma_start3A_104 = arith.constant 0 : i32
        %dma_start3A_105 = tpu.memref_slice %arg2[%dma_start3A_103, %dma_start3A_104] : memref<10000x128xf32, #tpu.memory_space<hbm>> -> memref<10000x128xf32, #tpu.memory_space<hbm>>
        tpu.enqueue_indirect_dma source(%dma_start3A_105 : memref<10000x128xf32, #tpu.memory_space<hbm>>) target(%arg23 : memref<128x128xf32, #tpu.memory_space<vmem>>) offsets(%arg19 : memref<128xi32, #tpu.memory_space<vmem>>) semaphore(%arg29 : memref<!tpu.dma_semaphore, #tpu.memory_space<semaphore_mem>>)
        %dma_wait3A_106 = tpu.memref_slice %arg6[%add3A_94] : memref<163840xi32, #tpu.memory_space<hbm>> -> memref<128xi32, #tpu.memory_space<hbm>>
        %dma_wait3A_107 = tpu.memref_slice %arg6[%add3A_94] : memref<163840xi32, #tpu.memory_space<hbm>> -> memref<128xi32, #tpu.memory_space<hbm>>
        tpu.wait_dma2 semaphore(%arg26 : memref<!tpu.dma_semaphore, #tpu.memory_space<semaphore_mem>>) src(%dma_wait3A_107 : memref<128xi32, #tpu.memory_space<hbm>>) dst(%arg20 : memref<128xi32, #tpu.memory_space<vmem>>)
        %dma_start3A_108 = arith.constant 0 : i32
        %dma_start3A_109 = arith.constant 0 : i32
        %dma_start3A_110 = tpu.memref_slice %arg2[%dma_start3A_108, %dma_start3A_109] : memref<10000x128xf32, #tpu.memory_space<hbm>> -> memref<10000x128xf32, #tpu.memory_space<hbm>>
        tpu.enqueue_indirect_dma source(%dma_start3A_110 : memref<10000x128xf32, #tpu.memory_space<hbm>>) target(%arg24 : memref<128x128xf32, #tpu.memory_space<vmem>>) offsets(%arg20 : memref<128xi32, #tpu.memory_space<vmem>>) semaphore(%arg30 : memref<!tpu.dma_semaphore, #tpu.memory_space<semaphore_mem>>)
        %dma_wait3A_111 = arith.constant 0 : i32
        %dma_wait3A_112 = arith.constant 0 : i32
        %dma_wait3A_113 = tpu.memref_slice %arg2[%dma_wait3A_111, %dma_wait3A_112] : memref<10000x128xf32, #tpu.memory_space<hbm>> -> memref<10000x128xf32, #tpu.memory_space<hbm>>
        tpu.wait_indirect_dma semaphore(%arg29 : memref<!tpu.dma_semaphore, #tpu.memory_space<semaphore_mem>>) src(%dma_wait3A_113 : memref<10000x128xf32, #tpu.memory_space<hbm>>) dst(%arg23 : memref<128x128xf32, #tpu.memory_space<vmem>>)
        %dma_wait3A_114 = tpu.memref_slice %arg7[%mul3A_80] : memref<163840xi32, #tpu.memory_space<hbm>> -> memref<128xi32, #tpu.memory_space<hbm>>
        %dma_wait3A_115 = tpu.memref_slice %arg7[%mul3A_80] : memref<163840xi32, #tpu.memory_space<hbm>> -> memref<128xi32, #tpu.memory_space<hbm>>
        tpu.wait_dma2 semaphore(%arg27 : memref<!tpu.dma_semaphore, #tpu.memory_space<semaphore_mem>>) src(%dma_wait3A_115 : memref<128xi32, #tpu.memory_space<hbm>>) dst(%arg21 : memref<128xi32, #tpu.memory_space<vmem>>)
        %dma_start3A_116 = arith.constant 0 : i32
        %dma_start3A_117 = arith.constant 0 : i32
        %dma_start3A_118 = tpu.memref_slice %arg18[%dma_start3A_116, %dma_start3A_117] : memref<10240x128xf32, #tpu.memory_space<vmem_shared>> -> memref<10240x128xf32, #tpu.memory_space<vmem_shared>>
        tpu.enqueue_indirect_dma source(%arg23 : memref<128x128xf32, #tpu.memory_space<vmem>>) target(%dma_start3A_118 : memref<10240x128xf32, #tpu.memory_space<vmem_shared>>) offsets(%arg21 : memref<128xi32, #tpu.memory_space<vmem>>) semaphore(%arg31 : memref<!tpu.dma_semaphore, #tpu.memory_space<semaphore_mem>>) {add = true}
        %dma_wait3A_119 = arith.constant 0 : i32
        %dma_wait3A_120 = arith.constant 0 : i32
        %dma_wait3A_121 = tpu.memref_slice %arg2[%dma_wait3A_119, %dma_wait3A_120] : memref<10000x128xf32, #tpu.memory_space<hbm>> -> memref<10000x128xf32, #tpu.memory_space<hbm>>
        tpu.wait_indirect_dma semaphore(%arg30 : memref<!tpu.dma_semaphore, #tpu.memory_space<semaphore_mem>>) src(%dma_wait3A_121 : memref<10000x128xf32, #tpu.memory_space<hbm>>) dst(%arg24 : memref<128x128xf32, #tpu.memory_space<vmem>>)
        %dma_wait3A_122 = tpu.memref_slice %arg7[%add3A_98] : memref<163840xi32, #tpu.memory_space<hbm>> -> memref<128xi32, #tpu.memory_space<hbm>>
        %dma_wait3A_123 = tpu.memref_slice %arg7[%add3A_98] : memref<163840xi32, #tpu.memory_space<hbm>> -> memref<128xi32, #tpu.memory_space<hbm>>
        tpu.wait_dma2 semaphore(%arg28 : memref<!tpu.dma_semaphore, #tpu.memory_space<semaphore_mem>>) src(%dma_wait3A_123 : memref<128xi32, #tpu.memory_space<hbm>>) dst(%arg22 : memref<128xi32, #tpu.memory_space<vmem>>)
        %dma_start3A_124 = arith.constant 0 : i32
        %dma_start3A_125 = arith.constant 0 : i32
        %dma_start3A_126 = tpu.memref_slice %arg18[%dma_start3A_124, %dma_start3A_125] : memref<10240x128xf32, #tpu.memory_space<vmem_shared>> -> memref<10240x128xf32, #tpu.memory_space<vmem_shared>>
        tpu.enqueue_indirect_dma source(%arg24 : memref<128x128xf32, #tpu.memory_space<vmem>>) target(%dma_start3A_126 : memref<10240x128xf32, #tpu.memory_space<vmem_shared>>) offsets(%arg22 : memref<128xi32, #tpu.memory_space<vmem>>) semaphore(%arg32 : memref<!tpu.dma_semaphore, #tpu.memory_space<semaphore_mem>>) {add = true}
      }
      %scan3A_66 = arith.constant 40 : i32
      %dma_wait3A = arith.constant 0 : i32
      %dma_wait3A_67 = arith.constant 0 : i32
      %dma_wait3A_68 = tpu.memref_slice %arg18[%dma_wait3A, %dma_wait3A_67] : memref<10240x128xf32, #tpu.memory_space<vmem_shared>> -> memref<10240x128xf32, #tpu.memory_space<vmem_shared>>
      tpu.wait_indirect_dma semaphore(%arg31 : memref<!tpu.dma_semaphore, #tpu.memory_space<semaphore_mem>>) src(%arg23 : memref<128x128xf32, #tpu.memory_space<vmem>>) dst(%dma_wait3A_68 : memref<10240x128xf32, #tpu.memory_space<vmem_shared>>)
      %dma_wait3A_69 = arith.constant 0 : i32
      %dma_wait3A_70 = arith.constant 0 : i32
      %dma_wait3A_71 = tpu.memref_slice %arg18[%dma_wait3A_69, %dma_wait3A_70] : memref<10240x128xf32, #tpu.memory_space<vmem_shared>> -> memref<10240x128xf32, #tpu.memory_space<vmem_shared>>
      tpu.wait_indirect_dma semaphore(%arg32 : memref<!tpu.dma_semaphore, #tpu.memory_space<semaphore_mem>>) src(%arg24 : memref<128x128xf32, #tpu.memory_space<vmem>>) dst(%dma_wait3A_71 : memref<10240x128xf32, #tpu.memory_space<vmem_shared>>)
    } else {
    }
    %eq3A_25 = arith.constant 1 : i32
    %eq3A_26 = arith.cmpi eq, %arg0, %eq3A_25 : i32
    %convert_element_type3A_27 = arith.extui %eq3A_26 : i1 to i32
    %cond3A_28 = arith.constant 0 : i32
    %cond3A_29 = arith.cmpi ne, %convert_element_type3A_27, %cond3A_28 : i32
    scf.if %cond3A_29 {
      %scan3A = arith.constant 0 : i32
      %scan3A_63 = arith.constant 40 : i32
      %scan3A_64 = arith.addi %scan3A, %scan3A_63 : i32
      %scan3A_65 = arith.constant 1 : i32
      scf.for %scan3A_72 = %scan3A to %scan3A_64 step %scan3A_65  : i32 {
        %mul3A_73 = arith.constant 2 : i32
        %mul3A_74 = arith.muli %scan3A_72, %mul3A_73 : i32
        %add3A = arith.constant 0 : i32
        %add3A_75 = arith.addi %add3A, %mul3A_74 : i32
        %mul3A_76 = arith.constant 80 : i32
        %mul3A_77 = arith.muli %arg1, %mul3A_76 : i32
        %add3A_78 = arith.addi %mul3A_77, %add3A_75 : i32
        %mul3A_79 = arith.constant 128 : i32
        %mul3A_80 = arith.muli %add3A_78, %mul3A_79 : i32
        %gt3A = arith.constant 0 : i32
        %gt3A_81 = arith.cmpi sgt, %add3A_75, %gt3A : i32
        %convert_element_type3A_82 = arith.extui %gt3A_81 : i1 to i32
        %cond3A_83 = arith.constant 0 : i32
        %cond3A_84 = arith.cmpi ne, %convert_element_type3A_82, %cond3A_83 : i32
        scf.if %cond3A_84 {
          %dma_wait3A_127 = arith.constant 0 : i32
          %dma_wait3A_128 = arith.constant 0 : i32
          %dma_wait3A_129 = tpu.memref_slice %arg18[%dma_wait3A_127, %dma_wait3A_128] : memref<10240x128xf32, #tpu.memory_space<vmem_shared>> -> memref<10240x128xf32, #tpu.memory_space<vmem_shared>>
          tpu.wait_indirect_dma semaphore(%arg31 : memref<!tpu.dma_semaphore, #tpu.memory_space<semaphore_mem>>) src(%arg23 : memref<128x128xf32, #tpu.memory_space<vmem>>) dst(%dma_wait3A_129 : memref<10240x128xf32, #tpu.memory_space<vmem_shared>>)
        } else {
        }
        %dma_start3A = tpu.memref_slice %arg6[%mul3A_80] : memref<163840xi32, #tpu.memory_space<hbm>> -> memref<128xi32, #tpu.memory_space<hbm>>
        %dma_start3A_85 = tpu.memref_slice %arg6[%mul3A_80] : memref<163840xi32, #tpu.memory_space<hbm>> -> memref<128xi32, #tpu.memory_space<hbm>>
        tpu.enqueue_dma source(%dma_start3A_85 : memref<128xi32, #tpu.memory_space<hbm>>) target(%arg19 : memref<128xi32, #tpu.memory_space<vmem>>) target_semaphore(%arg25 : memref<!tpu.dma_semaphore, #tpu.memory_space<semaphore_mem>>)
        %dma_start3A_86 = tpu.memref_slice %arg7[%mul3A_80] : memref<163840xi32, #tpu.memory_space<hbm>> -> memref<128xi32, #tpu.memory_space<hbm>>
        %dma_start3A_87 = tpu.memref_slice %arg7[%mul3A_80] : memref<163840xi32, #tpu.memory_space<hbm>> -> memref<128xi32, #tpu.memory_space<hbm>>
        tpu.enqueue_dma source(%dma_start3A_87 : memref<128xi32, #tpu.memory_space<hbm>>) target(%arg21 : memref<128xi32, #tpu.memory_space<vmem>>) target_semaphore(%arg27 : memref<!tpu.dma_semaphore, #tpu.memory_space<semaphore_mem>>)
        %gt3A_88 = arith.constant 0 : i32
        %gt3A_89 = arith.cmpi sgt, %add3A_75, %gt3A_88 : i32
        %convert_element_type3A_90 = arith.extui %gt3A_89 : i1 to i32
        %cond3A_91 = arith.constant 0 : i32
        %cond3A_92 = arith.cmpi ne, %convert_element_type3A_90, %cond3A_91 : i32
        scf.if %cond3A_92 {
          %dma_wait3A_127 = arith.constant 0 : i32
          %dma_wait3A_128 = arith.constant 0 : i32
          %dma_wait3A_129 = tpu.memref_slice %arg18[%dma_wait3A_127, %dma_wait3A_128] : memref<10240x128xf32, #tpu.memory_space<vmem_shared>> -> memref<10240x128xf32, #tpu.memory_space<vmem_shared>>
          tpu.wait_indirect_dma semaphore(%arg32 : memref<!tpu.dma_semaphore, #tpu.memory_space<semaphore_mem>>) src(%arg24 : memref<128x128xf32, #tpu.memory_space<vmem>>) dst(%dma_wait3A_129 : memref<10240x128xf32, #tpu.memory_space<vmem_shared>>)
        } else {
        }
        %add3A_93 = arith.constant 128 : i32
        %add3A_94 = arith.addi %mul3A_80, %add3A_93 : i32
        %dma_start3A_95 = tpu.memref_slice %arg6[%add3A_94] : memref<163840xi32, #tpu.memory_space<hbm>> -> memref<128xi32, #tpu.memory_space<hbm>>
        %dma_start3A_96 = tpu.memref_slice %arg6[%add3A_94] : memref<163840xi32, #tpu.memory_space<hbm>> -> memref<128xi32, #tpu.memory_space<hbm>>
        tpu.enqueue_dma source(%dma_start3A_96 : memref<128xi32, #tpu.memory_space<hbm>>) target(%arg20 : memref<128xi32, #tpu.memory_space<vmem>>) target_semaphore(%arg26 : memref<!tpu.dma_semaphore, #tpu.memory_space<semaphore_mem>>)
        %add3A_97 = arith.constant 128 : i32
        %add3A_98 = arith.addi %mul3A_80, %add3A_97 : i32
        %dma_start3A_99 = tpu.memref_slice %arg7[%add3A_98] : memref<163840xi32, #tpu.memory_space<hbm>> -> memref<128xi32, #tpu.memory_space<hbm>>
        %dma_start3A_100 = tpu.memref_slice %arg7[%add3A_98] : memref<163840xi32, #tpu.memory_space<hbm>> -> memref<128xi32, #tpu.memory_space<hbm>>
        tpu.enqueue_dma source(%dma_start3A_100 : memref<128xi32, #tpu.memory_space<hbm>>) target(%arg22 : memref<128xi32, #tpu.memory_space<vmem>>) target_semaphore(%arg28 : memref<!tpu.dma_semaphore, #tpu.memory_space<semaphore_mem>>)
        %dma_wait3A_101 = tpu.memref_slice %arg6[%mul3A_80] : memref<163840xi32, #tpu.memory_space<hbm>> -> memref<128xi32, #tpu.memory_space<hbm>>
        %dma_wait3A_102 = tpu.memref_slice %arg6[%mul3A_80] : memref<163840xi32, #tpu.memory_space<hbm>> -> memref<128xi32, #tpu.memory_space<hbm>>
        tpu.wait_dma2 semaphore(%arg25 : memref<!tpu.dma_semaphore, #tpu.memory_space<semaphore_mem>>) src(%dma_wait3A_102 : memref<128xi32, #tpu.memory_space<hbm>>) dst(%arg19 : memref<128xi32, #tpu.memory_space<vmem>>)
        %dma_start3A_103 = arith.constant 0 : i32
        %dma_start3A_104 = arith.constant 0 : i32
        %dma_start3A_105 = tpu.memref_slice %arg3[%dma_start3A_103, %dma_start3A_104] : memref<10000x128xf32, #tpu.memory_space<hbm>> -> memref<10000x128xf32, #tpu.memory_space<hbm>>
        tpu.enqueue_indirect_dma source(%dma_start3A_105 : memref<10000x128xf32, #tpu.memory_space<hbm>>) target(%arg23 : memref<128x128xf32, #tpu.memory_space<vmem>>) offsets(%arg19 : memref<128xi32, #tpu.memory_space<vmem>>) semaphore(%arg29 : memref<!tpu.dma_semaphore, #tpu.memory_space<semaphore_mem>>)
        %dma_wait3A_106 = tpu.memref_slice %arg6[%add3A_94] : memref<163840xi32, #tpu.memory_space<hbm>> -> memref<128xi32, #tpu.memory_space<hbm>>
        %dma_wait3A_107 = tpu.memref_slice %arg6[%add3A_94] : memref<163840xi32, #tpu.memory_space<hbm>> -> memref<128xi32, #tpu.memory_space<hbm>>
        tpu.wait_dma2 semaphore(%arg26 : memref<!tpu.dma_semaphore, #tpu.memory_space<semaphore_mem>>) src(%dma_wait3A_107 : memref<128xi32, #tpu.memory_space<hbm>>) dst(%arg20 : memref<128xi32, #tpu.memory_space<vmem>>)
        %dma_start3A_108 = arith.constant 0 : i32
        %dma_start3A_109 = arith.constant 0 : i32
        %dma_start3A_110 = tpu.memref_slice %arg3[%dma_start3A_108, %dma_start3A_109] : memref<10000x128xf32, #tpu.memory_space<hbm>> -> memref<10000x128xf32, #tpu.memory_space<hbm>>
        tpu.enqueue_indirect_dma source(%dma_start3A_110 : memref<10000x128xf32, #tpu.memory_space<hbm>>) target(%arg24 : memref<128x128xf32, #tpu.memory_space<vmem>>) offsets(%arg20 : memref<128xi32, #tpu.memory_space<vmem>>) semaphore(%arg30 : memref<!tpu.dma_semaphore, #tpu.memory_space<semaphore_mem>>)
        %dma_wait3A_111 = arith.constant 0 : i32
        %dma_wait3A_112 = arith.constant 0 : i32
        %dma_wait3A_113 = tpu.memref_slice %arg3[%dma_wait3A_111, %dma_wait3A_112] : memref<10000x128xf32, #tpu.memory_space<hbm>> -> memref<10000x128xf32, #tpu.memory_space<hbm>>
        tpu.wait_indirect_dma semaphore(%arg29 : memref<!tpu.dma_semaphore, #tpu.memory_space<semaphore_mem>>) src(%dma_wait3A_113 : memref<10000x128xf32, #tpu.memory_space<hbm>>) dst(%arg23 : memref<128x128xf32, #tpu.memory_space<vmem>>)
        %dma_wait3A_114 = tpu.memref_slice %arg7[%mul3A_80] : memref<163840xi32, #tpu.memory_space<hbm>> -> memref<128xi32, #tpu.memory_space<hbm>>
        %dma_wait3A_115 = tpu.memref_slice %arg7[%mul3A_80] : memref<163840xi32, #tpu.memory_space<hbm>> -> memref<128xi32, #tpu.memory_space<hbm>>
        tpu.wait_dma2 semaphore(%arg27 : memref<!tpu.dma_semaphore, #tpu.memory_space<semaphore_mem>>) src(%dma_wait3A_115 : memref<128xi32, #tpu.memory_space<hbm>>) dst(%arg21 : memref<128xi32, #tpu.memory_space<vmem>>)
        %dma_start3A_116 = arith.constant 0 : i32
        %dma_start3A_117 = arith.constant 0 : i32
        %dma_start3A_118 = tpu.memref_slice %arg18[%dma_start3A_116, %dma_start3A_117] : memref<10240x128xf32, #tpu.memory_space<vmem_shared>> -> memref<10240x128xf32, #tpu.memory_space<vmem_shared>>
        tpu.enqueue_indirect_dma source(%arg23 : memref<128x128xf32, #tpu.memory_space<vmem>>) target(%dma_start3A_118 : memref<10240x128xf32, #tpu.memory_space<vmem_shared>>) offsets(%arg21 : memref<128xi32, #tpu.memory_space<vmem>>) semaphore(%arg31 : memref<!tpu.dma_semaphore, #tpu.memory_space<semaphore_mem>>) {add = true}
        %dma_wait3A_119 = arith.constant 0 : i32
        %dma_wait3A_120 = arith.constant 0 : i32
        %dma_wait3A_121 = tpu.memref_slice %arg3[%dma_wait3A_119, %dma_wait3A_120] : memref<10000x128xf32, #tpu.memory_space<hbm>> -> memref<10000x128xf32, #tpu.memory_space<hbm>>
        tpu.wait_indirect_dma semaphore(%arg30 : memref<!tpu.dma_semaphore, #tpu.memory_space<semaphore_mem>>) src(%dma_wait3A_121 : memref<10000x128xf32, #tpu.memory_space<hbm>>) dst(%arg24 : memref<128x128xf32, #tpu.memory_space<vmem>>)
        %dma_wait3A_122 = tpu.memref_slice %arg7[%add3A_98] : memref<163840xi32, #tpu.memory_space<hbm>> -> memref<128xi32, #tpu.memory_space<hbm>>
        %dma_wait3A_123 = tpu.memref_slice %arg7[%add3A_98] : memref<163840xi32, #tpu.memory_space<hbm>> -> memref<128xi32, #tpu.memory_space<hbm>>
        tpu.wait_dma2 semaphore(%arg28 : memref<!tpu.dma_semaphore, #tpu.memory_space<semaphore_mem>>) src(%dma_wait3A_123 : memref<128xi32, #tpu.memory_space<hbm>>) dst(%arg22 : memref<128xi32, #tpu.memory_space<vmem>>)
        %dma_start3A_124 = arith.constant 0 : i32
        %dma_start3A_125 = arith.constant 0 : i32
        %dma_start3A_126 = tpu.memref_slice %arg18[%dma_start3A_124, %dma_start3A_125] : memref<10240x128xf32, #tpu.memory_space<vmem_shared>> -> memref<10240x128xf32, #tpu.memory_space<vmem_shared>>
        tpu.enqueue_indirect_dma source(%arg24 : memref<128x128xf32, #tpu.memory_space<vmem>>) target(%dma_start3A_126 : memref<10240x128xf32, #tpu.memory_space<vmem_shared>>) offsets(%arg22 : memref<128xi32, #tpu.memory_space<vmem>>) semaphore(%arg32 : memref<!tpu.dma_semaphore, #tpu.memory_space<semaphore_mem>>) {add = true}
      }
      %scan3A_66 = arith.constant 40 : i32
      %dma_wait3A = arith.constant 0 : i32
      %dma_wait3A_67 = arith.constant 0 : i32
      %dma_wait3A_68 = tpu.memref_slice %arg18[%dma_wait3A, %dma_wait3A_67] : memref<10240x128xf32, #tpu.memory_space<vmem_shared>> -> memref<10240x128xf32, #tpu.memory_space<vmem_shared>>
      tpu.wait_indirect_dma semaphore(%arg31 : memref<!tpu.dma_semaphore, #tpu.memory_space<semaphore_mem>>) src(%arg23 : memref<128x128xf32, #tpu.memory_space<vmem>>) dst(%dma_wait3A_68 : memref<10240x128xf32, #tpu.memory_space<vmem_shared>>)
      %dma_wait3A_69 = arith.constant 0 : i32
      %dma_wait3A_70 = arith.constant 0 : i32
      %dma_wait3A_71 = tpu.memref_slice %arg18[%dma_wait3A_69, %dma_wait3A_70] : memref<10240x128xf32, #tpu.memory_space<vmem_shared>> -> memref<10240x128xf32, #tpu.memory_space<vmem_shared>>
      tpu.wait_indirect_dma semaphore(%arg32 : memref<!tpu.dma_semaphore, #tpu.memory_space<semaphore_mem>>) src(%arg24 : memref<128x128xf32, #tpu.memory_space<vmem>>) dst(%dma_wait3A_71 : memref<10240x128xf32, #tpu.memory_space<vmem_shared>>)
    } else {
    }
    %barrier3A_30 = arith.constant 0 : index
    tpu.barrier barrier_id(%barrier3A_30)
    %eq3A_31 = arith.constant 0 : i32
    %eq3A_32 = arith.cmpi eq, %arg0, %eq3A_31 : i32
    %convert_element_type3A_33 = arith.extui %eq3A_32 : i1 to i32
    %cond3A_34 = arith.constant 0 : i32
    %cond3A_35 = arith.cmpi ne, %convert_element_type3A_33, %cond3A_34 : i32
    scf.if %cond3A_35 {
      "tpu.region"() ({
        %run_scoped3A = tpu.sem_alloc : memref<!tpu.dma_semaphore, #tpu.memory_space<semaphore_mem>>
        %dma_start3A = arith.constant 0 : i32
        %dma_start3A_63 = tpu.memref_slice %arg12[%mul3A_0, %dma_start3A] : memref<10240x128xf32, #tpu.memory_space<hbm>> -> memref<640x128xf32, #tpu.memory_space<hbm>>
        %dma_start3A_64 = arith.constant 0 : i32
        %dma_start3A_65 = tpu.memref_slice %arg18[%mul3A_0, %dma_start3A_64] : memref<10240x128xf32, #tpu.memory_space<vmem_shared>> -> memref<640x128xf32, #tpu.memory_space<vmem_shared>>
        tpu.enqueue_dma source(%dma_start3A_65 : memref<640x128xf32, #tpu.memory_space<vmem_shared>>) target(%dma_start3A_63 : memref<640x128xf32, #tpu.memory_space<hbm>>) target_semaphore(%run_scoped3A : memref<!tpu.dma_semaphore, #tpu.memory_space<semaphore_mem>>)
        %dma_wait3A = arith.constant 0 : i32
        %dma_wait3A_66 = tpu.memref_slice %arg12[%mul3A_0, %dma_wait3A] : memref<10240x128xf32, #tpu.memory_space<hbm>> -> memref<640x128xf32, #tpu.memory_space<hbm>>
        %dma_wait3A_67 = arith.constant 0 : i32
        %dma_wait3A_68 = tpu.memref_slice %arg18[%mul3A_0, %dma_wait3A_67] : memref<10240x128xf32, #tpu.memory_space<vmem_shared>> -> memref<640x128xf32, #tpu.memory_space<vmem_shared>>
        tpu.wait_dma2 semaphore(%run_scoped3A : memref<!tpu.dma_semaphore, #tpu.memory_space<semaphore_mem>>) src(%dma_wait3A_68 : memref<640x128xf32, #tpu.memory_space<vmem_shared>>) dst(%dma_wait3A_66 : memref<640x128xf32, #tpu.memory_space<hbm>>)
        tpu.yield
      }) : () -> ()
    } else {
    }
    %eq3A_36 = arith.constant 1 : i32
    %eq3A_37 = arith.cmpi eq, %arg0, %eq3A_36 : i32
    %convert_element_type3A_38 = arith.extui %eq3A_37 : i1 to i32
    %cond3A_39 = arith.constant 0 : i32
    %cond3A_40 = arith.cmpi ne, %convert_element_type3A_38, %cond3A_39 : i32
    scf.if %cond3A_40 {
      "tpu.region"() ({
        %run_scoped3A = tpu.sem_alloc : memref<!tpu.dma_semaphore, #tpu.memory_space<semaphore_mem>>
        %dma_start3A = arith.constant 0 : i32
        %dma_start3A_63 = tpu.memref_slice %arg13[%mul3A_0, %dma_start3A] : memref<10240x128xf32, #tpu.memory_space<hbm>> -> memref<640x128xf32, #tpu.memory_space<hbm>>
        %dma_start3A_64 = arith.constant 0 : i32
        %dma_start3A_65 = tpu.memref_slice %arg18[%mul3A_0, %dma_start3A_64] : memref<10240x128xf32, #tpu.memory_space<vmem_shared>> -> memref<640x128xf32, #tpu.memory_space<vmem_shared>>
        tpu.enqueue_dma source(%dma_start3A_65 : memref<640x128xf32, #tpu.memory_space<vmem_shared>>) target(%dma_start3A_63 : memref<640x128xf32, #tpu.memory_space<hbm>>) target_semaphore(%run_scoped3A : memref<!tpu.dma_semaphore, #tpu.memory_space<semaphore_mem>>)
        %dma_wait3A = arith.constant 0 : i32
        %dma_wait3A_66 = tpu.memref_slice %arg13[%mul3A_0, %dma_wait3A] : memref<10240x128xf32, #tpu.memory_space<hbm>> -> memref<640x128xf32, #tpu.memory_space<hbm>>
        %dma_wait3A_67 = arith.constant 0 : i32
        %dma_wait3A_68 = tpu.memref_slice %arg18[%mul3A_0, %dma_wait3A_67] : memref<10240x128xf32, #tpu.memory_space<vmem_shared>> -> memref<640x128xf32, #tpu.memory_space<vmem_shared>>
        tpu.wait_dma2 semaphore(%run_scoped3A : memref<!tpu.dma_semaphore, #tpu.memory_space<semaphore_mem>>) src(%dma_wait3A_68 : memref<640x128xf32, #tpu.memory_space<vmem_shared>>) dst(%dma_wait3A_66 : memref<640x128xf32, #tpu.memory_space<hbm>>)
        tpu.yield
      }) : () -> ()
    } else {
    }
    "tpu.region"() ({
      %run_scoped3A = tpu.sem_alloc : memref<!tpu.dma_semaphore, #tpu.memory_space<semaphore_mem>>
      %dma_start3A = arith.constant 0 : i32
      %dma_start3A_63 = tpu.memref_slice %arg18[%mul3A_0, %dma_start3A] : memref<10240x128xf32, #tpu.memory_space<vmem_shared>> -> memref<640x128xf32, #tpu.memory_space<vmem_shared>>
      %dma_start3A_64 = arith.constant 0 : i32
      %dma_start3A_65 = tpu.memref_slice %arg10[%mul3A_0, %dma_start3A_64] : memref<10240x128xf32, #tpu.memory_space<hbm>> -> memref<640x128xf32, #tpu.memory_space<hbm>>
      tpu.enqueue_dma source(%dma_start3A_65 : memref<640x128xf32, #tpu.memory_space<hbm>>) target(%dma_start3A_63 : memref<640x128xf32, #tpu.memory_space<vmem_shared>>) target_semaphore(%run_scoped3A : memref<!tpu.dma_semaphore, #tpu.memory_space<semaphore_mem>>)
      %dma_wait3A = arith.constant 0 : i32
      %dma_wait3A_66 = tpu.memref_slice %arg18[%mul3A_0, %dma_wait3A] : memref<10240x128xf32, #tpu.memory_space<vmem_shared>> -> memref<640x128xf32, #tpu.memory_space<vmem_shared>>
      %dma_wait3A_67 = arith.constant 0 : i32
      %dma_wait3A_68 = tpu.memref_slice %arg10[%mul3A_0, %dma_wait3A_67] : memref<10240x128xf32, #tpu.memory_space<hbm>> -> memref<640x128xf32, #tpu.memory_space<hbm>>
      tpu.wait_dma2 semaphore(%run_scoped3A : memref<!tpu.dma_semaphore, #tpu.memory_space<semaphore_mem>>) src(%dma_wait3A_68 : memref<640x128xf32, #tpu.memory_space<hbm>>) dst(%dma_wait3A_66 : memref<640x128xf32, #tpu.memory_space<vmem_shared>>)
      tpu.yield
    }) : () -> ()
    %barrier3A_41 = arith.constant 0 : index
    tpu.barrier barrier_id(%barrier3A_41)
    %eq3A_42 = arith.constant 0 : i32
    %eq3A_43 = arith.cmpi eq, %arg0, %eq3A_42 : i32
    %convert_element_type3A_44 = arith.extui %eq3A_43 : i1 to i32
    %cond3A_45 = arith.constant 0 : i32
    %cond3A_46 = arith.cmpi ne, %convert_element_type3A_44, %cond3A_45 : i32
    scf.if %cond3A_46 {
      %scan3A = arith.constant 0 : i32
      %scan3A_63 = arith.constant 40 : i32
      %scan3A_64 = arith.addi %scan3A, %scan3A_63 : i32
      %scan3A_65 = arith.constant 1 : i32
      scf.for %scan3A_72 = %scan3A to %scan3A_64 step %scan3A_65  : i32 {
        %mul3A_73 = arith.constant 2 : i32
        %mul3A_74 = arith.muli %scan3A_72, %mul3A_73 : i32
        %add3A = arith.constant 0 : i32
        %add3A_75 = arith.addi %add3A, %mul3A_74 : i32
        %mul3A_76 = arith.constant 80 : i32
        %mul3A_77 = arith.muli %arg1, %mul3A_76 : i32
        %add3A_78 = arith.addi %mul3A_77, %add3A_75 : i32
        %mul3A_79 = arith.constant 128 : i32
        %mul3A_80 = arith.muli %add3A_78, %mul3A_79 : i32
        %gt3A = arith.constant 0 : i32
        %gt3A_81 = arith.cmpi sgt, %add3A_75, %gt3A : i32
        %convert_element_type3A_82 = arith.extui %gt3A_81 : i1 to i32
        %cond3A_83 = arith.constant 0 : i32
        %cond3A_84 = arith.cmpi ne, %convert_element_type3A_82, %cond3A_83 : i32
        scf.if %cond3A_84 {
          %dma_wait3A_127 = arith.constant 0 : i32
          %dma_wait3A_128 = arith.constant 0 : i32
          %dma_wait3A_129 = tpu.memref_slice %arg18[%dma_wait3A_127, %dma_wait3A_128] : memref<10240x128xf32, #tpu.memory_space<vmem_shared>> -> memref<10240x128xf32, #tpu.memory_space<vmem_shared>>
          tpu.wait_indirect_dma semaphore(%arg31 : memref<!tpu.dma_semaphore, #tpu.memory_space<semaphore_mem>>) src(%arg23 : memref<128x128xf32, #tpu.memory_space<vmem>>) dst(%dma_wait3A_129 : memref<10240x128xf32, #tpu.memory_space<vmem_shared>>)
        } else {
        }
        %dma_start3A = tpu.memref_slice %arg8[%mul3A_80] : memref<163840xi32, #tpu.memory_space<hbm>> -> memref<128xi32, #tpu.memory_space<hbm>>
        %dma_start3A_85 = tpu.memref_slice %arg8[%mul3A_80] : memref<163840xi32, #tpu.memory_space<hbm>> -> memref<128xi32, #tpu.memory_space<hbm>>
        tpu.enqueue_dma source(%dma_start3A_85 : memref<128xi32, #tpu.memory_space<hbm>>) target(%arg19 : memref<128xi32, #tpu.memory_space<vmem>>) target_semaphore(%arg25 : memref<!tpu.dma_semaphore, #tpu.memory_space<semaphore_mem>>)
        %dma_start3A_86 = tpu.memref_slice %arg9[%mul3A_80] : memref<163840xi32, #tpu.memory_space<hbm>> -> memref<128xi32, #tpu.memory_space<hbm>>
        %dma_start3A_87 = tpu.memref_slice %arg9[%mul3A_80] : memref<163840xi32, #tpu.memory_space<hbm>> -> memref<128xi32, #tpu.memory_space<hbm>>
        tpu.enqueue_dma source(%dma_start3A_87 : memref<128xi32, #tpu.memory_space<hbm>>) target(%arg21 : memref<128xi32, #tpu.memory_space<vmem>>) target_semaphore(%arg27 : memref<!tpu.dma_semaphore, #tpu.memory_space<semaphore_mem>>)
        %gt3A_88 = arith.constant 0 : i32
        %gt3A_89 = arith.cmpi sgt, %add3A_75, %gt3A_88 : i32
        %convert_element_type3A_90 = arith.extui %gt3A_89 : i1 to i32
        %cond3A_91 = arith.constant 0 : i32
        %cond3A_92 = arith.cmpi ne, %convert_element_type3A_90, %cond3A_91 : i32
        scf.if %cond3A_92 {
          %dma_wait3A_127 = arith.constant 0 : i32
          %dma_wait3A_128 = arith.constant 0 : i32
          %dma_wait3A_129 = tpu.memref_slice %arg18[%dma_wait3A_127, %dma_wait3A_128] : memref<10240x128xf32, #tpu.memory_space<vmem_shared>> -> memref<10240x128xf32, #tpu.memory_space<vmem_shared>>
          tpu.wait_indirect_dma semaphore(%arg32 : memref<!tpu.dma_semaphore, #tpu.memory_space<semaphore_mem>>) src(%arg24 : memref<128x128xf32, #tpu.memory_space<vmem>>) dst(%dma_wait3A_129 : memref<10240x128xf32, #tpu.memory_space<vmem_shared>>)
        } else {
        }
        %add3A_93 = arith.constant 128 : i32
        %add3A_94 = arith.addi %mul3A_80, %add3A_93 : i32
        %dma_start3A_95 = tpu.memref_slice %arg8[%add3A_94] : memref<163840xi32, #tpu.memory_space<hbm>> -> memref<128xi32, #tpu.memory_space<hbm>>
        %dma_start3A_96 = tpu.memref_slice %arg8[%add3A_94] : memref<163840xi32, #tpu.memory_space<hbm>> -> memref<128xi32, #tpu.memory_space<hbm>>
        tpu.enqueue_dma source(%dma_start3A_96 : memref<128xi32, #tpu.memory_space<hbm>>) target(%arg20 : memref<128xi32, #tpu.memory_space<vmem>>) target_semaphore(%arg26 : memref<!tpu.dma_semaphore, #tpu.memory_space<semaphore_mem>>)
        %add3A_97 = arith.constant 128 : i32
        %add3A_98 = arith.addi %mul3A_80, %add3A_97 : i32
        %dma_start3A_99 = tpu.memref_slice %arg9[%add3A_98] : memref<163840xi32, #tpu.memory_space<hbm>> -> memref<128xi32, #tpu.memory_space<hbm>>
        %dma_start3A_100 = tpu.memref_slice %arg9[%add3A_98] : memref<163840xi32, #tpu.memory_space<hbm>> -> memref<128xi32, #tpu.memory_space<hbm>>
        tpu.enqueue_dma source(%dma_start3A_100 : memref<128xi32, #tpu.memory_space<hbm>>) target(%arg22 : memref<128xi32, #tpu.memory_space<vmem>>) target_semaphore(%arg28 : memref<!tpu.dma_semaphore, #tpu.memory_space<semaphore_mem>>)
        %dma_wait3A_101 = tpu.memref_slice %arg8[%mul3A_80] : memref<163840xi32, #tpu.memory_space<hbm>> -> memref<128xi32, #tpu.memory_space<hbm>>
        %dma_wait3A_102 = tpu.memref_slice %arg8[%mul3A_80] : memref<163840xi32, #tpu.memory_space<hbm>> -> memref<128xi32, #tpu.memory_space<hbm>>
        tpu.wait_dma2 semaphore(%arg25 : memref<!tpu.dma_semaphore, #tpu.memory_space<semaphore_mem>>) src(%dma_wait3A_102 : memref<128xi32, #tpu.memory_space<hbm>>) dst(%arg19 : memref<128xi32, #tpu.memory_space<vmem>>)
        %dma_start3A_103 = arith.constant 0 : i32
        %dma_start3A_104 = arith.constant 0 : i32
        %dma_start3A_105 = tpu.memref_slice %arg4[%dma_start3A_103, %dma_start3A_104] : memref<10000x128xf32, #tpu.memory_space<hbm>> -> memref<10000x128xf32, #tpu.memory_space<hbm>>
        tpu.enqueue_indirect_dma source(%dma_start3A_105 : memref<10000x128xf32, #tpu.memory_space<hbm>>) target(%arg23 : memref<128x128xf32, #tpu.memory_space<vmem>>) offsets(%arg19 : memref<128xi32, #tpu.memory_space<vmem>>) semaphore(%arg29 : memref<!tpu.dma_semaphore, #tpu.memory_space<semaphore_mem>>)
        %dma_wait3A_106 = tpu.memref_slice %arg8[%add3A_94] : memref<163840xi32, #tpu.memory_space<hbm>> -> memref<128xi32, #tpu.memory_space<hbm>>
        %dma_wait3A_107 = tpu.memref_slice %arg8[%add3A_94] : memref<163840xi32, #tpu.memory_space<hbm>> -> memref<128xi32, #tpu.memory_space<hbm>>
        tpu.wait_dma2 semaphore(%arg26 : memref<!tpu.dma_semaphore, #tpu.memory_space<semaphore_mem>>) src(%dma_wait3A_107 : memref<128xi32, #tpu.memory_space<hbm>>) dst(%arg20 : memref<128xi32, #tpu.memory_space<vmem>>)
        %dma_start3A_108 = arith.constant 0 : i32
        %dma_start3A_109 = arith.constant 0 : i32
        %dma_start3A_110 = tpu.memref_slice %arg4[%dma_start3A_108, %dma_start3A_109] : memref<10000x128xf32, #tpu.memory_space<hbm>> -> memref<10000x128xf32, #tpu.memory_space<hbm>>
        tpu.enqueue_indirect_dma source(%dma_start3A_110 : memref<10000x128xf32, #tpu.memory_space<hbm>>) target(%arg24 : memref<128x128xf32, #tpu.memory_space<vmem>>) offsets(%arg20 : memref<128xi32, #tpu.memory_space<vmem>>) semaphore(%arg30 : memref<!tpu.dma_semaphore, #tpu.memory_space<semaphore_mem>>)
        %dma_wait3A_111 = arith.constant 0 : i32
        %dma_wait3A_112 = arith.constant 0 : i32
        %dma_wait3A_113 = tpu.memref_slice %arg4[%dma_wait3A_111, %dma_wait3A_112] : memref<10000x128xf32, #tpu.memory_space<hbm>> -> memref<10000x128xf32, #tpu.memory_space<hbm>>
        tpu.wait_indirect_dma semaphore(%arg29 : memref<!tpu.dma_semaphore, #tpu.memory_space<semaphore_mem>>) src(%dma_wait3A_113 : memref<10000x128xf32, #tpu.memory_space<hbm>>) dst(%arg23 : memref<128x128xf32, #tpu.memory_space<vmem>>)
        %dma_wait3A_114 = tpu.memref_slice %arg9[%mul3A_80] : memref<163840xi32, #tpu.memory_space<hbm>> -> memref<128xi32, #tpu.memory_space<hbm>>
        %dma_wait3A_115 = tpu.memref_slice %arg9[%mul3A_80] : memref<163840xi32, #tpu.memory_space<hbm>> -> memref<128xi32, #tpu.memory_space<hbm>>
        tpu.wait_dma2 semaphore(%arg27 : memref<!tpu.dma_semaphore, #tpu.memory_space<semaphore_mem>>) src(%dma_wait3A_115 : memref<128xi32, #tpu.memory_space<hbm>>) dst(%arg21 : memref<128xi32, #tpu.memory_space<vmem>>)
        %dma_start3A_116 = arith.constant 0 : i32
        %dma_start3A_117 = arith.constant 0 : i32
        %dma_start3A_118 = tpu.memref_slice %arg18[%dma_start3A_116, %dma_start3A_117] : memref<10240x128xf32, #tpu.memory_space<vmem_shared>> -> memref<10240x128xf32, #tpu.memory_space<vmem_shared>>
        tpu.enqueue_indirect_dma source(%arg23 : memref<128x128xf32, #tpu.memory_space<vmem>>) target(%dma_start3A_118 : memref<10240x128xf32, #tpu.memory_space<vmem_shared>>) offsets(%arg21 : memref<128xi32, #tpu.memory_space<vmem>>) semaphore(%arg31 : memref<!tpu.dma_semaphore, #tpu.memory_space<semaphore_mem>>) {add = true}
        %dma_wait3A_119 = arith.constant 0 : i32
        %dma_wait3A_120 = arith.constant 0 : i32
        %dma_wait3A_121 = tpu.memref_slice %arg4[%dma_wait3A_119, %dma_wait3A_120] : memref<10000x128xf32, #tpu.memory_space<hbm>> -> memref<10000x128xf32, #tpu.memory_space<hbm>>
        tpu.wait_indirect_dma semaphore(%arg30 : memref<!tpu.dma_semaphore, #tpu.memory_space<semaphore_mem>>) src(%dma_wait3A_121 : memref<10000x128xf32, #tpu.memory_space<hbm>>) dst(%arg24 : memref<128x128xf32, #tpu.memory_space<vmem>>)
        %dma_wait3A_122 = tpu.memref_slice %arg9[%add3A_98] : memref<163840xi32, #tpu.memory_space<hbm>> -> memref<128xi32, #tpu.memory_space<hbm>>
        %dma_wait3A_123 = tpu.memref_slice %arg9[%add3A_98] : memref<163840xi32, #tpu.memory_space<hbm>> -> memref<128xi32, #tpu.memory_space<hbm>>
        tpu.wait_dma2 semaphore(%arg28 : memref<!tpu.dma_semaphore, #tpu.memory_space<semaphore_mem>>) src(%dma_wait3A_123 : memref<128xi32, #tpu.memory_space<hbm>>) dst(%arg22 : memref<128xi32, #tpu.memory_space<vmem>>)
        %dma_start3A_124 = arith.constant 0 : i32
        %dma_start3A_125 = arith.constant 0 : i32
        %dma_start3A_126 = tpu.memref_slice %arg18[%dma_start3A_124, %dma_start3A_125] : memref<10240x128xf32, #tpu.memory_space<vmem_shared>> -> memref<10240x128xf32, #tpu.memory_space<vmem_shared>>
        tpu.enqueue_indirect_dma source(%arg24 : memref<128x128xf32, #tpu.memory_space<vmem>>) target(%dma_start3A_126 : memref<10240x128xf32, #tpu.memory_space<vmem_shared>>) offsets(%arg22 : memref<128xi32, #tpu.memory_space<vmem>>) semaphore(%arg32 : memref<!tpu.dma_semaphore, #tpu.memory_space<semaphore_mem>>) {add = true}
      }
      %scan3A_66 = arith.constant 40 : i32
      %dma_wait3A = arith.constant 0 : i32
      %dma_wait3A_67 = arith.constant 0 : i32
      %dma_wait3A_68 = tpu.memref_slice %arg18[%dma_wait3A, %dma_wait3A_67] : memref<10240x128xf32, #tpu.memory_space<vmem_shared>> -> memref<10240x128xf32, #tpu.memory_space<vmem_shared>>
      tpu.wait_indirect_dma semaphore(%arg31 : memref<!tpu.dma_semaphore, #tpu.memory_space<semaphore_mem>>) src(%arg23 : memref<128x128xf32, #tpu.memory_space<vmem>>) dst(%dma_wait3A_68 : memref<10240x128xf32, #tpu.memory_space<vmem_shared>>)
      %dma_wait3A_69 = arith.constant 0 : i32
      %dma_wait3A_70 = arith.constant 0 : i32
      %dma_wait3A_71 = tpu.memref_slice %arg18[%dma_wait3A_69, %dma_wait3A_70] : memref<10240x128xf32, #tpu.memory_space<vmem_shared>> -> memref<10240x128xf32, #tpu.memory_space<vmem_shared>>
      tpu.wait_indirect_dma semaphore(%arg32 : memref<!tpu.dma_semaphore, #tpu.memory_space<semaphore_mem>>) src(%arg24 : memref<128x128xf32, #tpu.memory_space<vmem>>) dst(%dma_wait3A_71 : memref<10240x128xf32, #tpu.memory_space<vmem_shared>>)
    } else {
    }
    %eq3A_47 = arith.constant 1 : i32
    %eq3A_48 = arith.cmpi eq, %arg0, %eq3A_47 : i32
    %convert_element_type3A_49 = arith.extui %eq3A_48 : i1 to i32
    %cond3A_50 = arith.constant 0 : i32
    %cond3A_51 = arith.cmpi ne, %convert_element_type3A_49, %cond3A_50 : i32
    scf.if %cond3A_51 {
      %scan3A = arith.constant 0 : i32
      %scan3A_63 = arith.constant 40 : i32
      %scan3A_64 = arith.addi %scan3A, %scan3A_63 : i32
      %scan3A_65 = arith.constant 1 : i32
      scf.for %scan3A_72 = %scan3A to %scan3A_64 step %scan3A_65  : i32 {
        %mul3A_73 = arith.constant 2 : i32
        %mul3A_74 = arith.muli %scan3A_72, %mul3A_73 : i32
        %add3A = arith.constant 0 : i32
        %add3A_75 = arith.addi %add3A, %mul3A_74 : i32
        %mul3A_76 = arith.constant 80 : i32
        %mul3A_77 = arith.muli %arg1, %mul3A_76 : i32
        %add3A_78 = arith.addi %mul3A_77, %add3A_75 : i32
        %mul3A_79 = arith.constant 128 : i32
        %mul3A_80 = arith.muli %add3A_78, %mul3A_79 : i32
        %gt3A = arith.constant 0 : i32
        %gt3A_81 = arith.cmpi sgt, %add3A_75, %gt3A : i32
        %convert_element_type3A_82 = arith.extui %gt3A_81 : i1 to i32
        %cond3A_83 = arith.constant 0 : i32
        %cond3A_84 = arith.cmpi ne, %convert_element_type3A_82, %cond3A_83 : i32
        scf.if %cond3A_84 {
          %dma_wait3A_127 = arith.constant 0 : i32
          %dma_wait3A_128 = arith.constant 0 : i32
          %dma_wait3A_129 = tpu.memref_slice %arg18[%dma_wait3A_127, %dma_wait3A_128] : memref<10240x128xf32, #tpu.memory_space<vmem_shared>> -> memref<10240x128xf32, #tpu.memory_space<vmem_shared>>
          tpu.wait_indirect_dma semaphore(%arg31 : memref<!tpu.dma_semaphore, #tpu.memory_space<semaphore_mem>>) src(%arg23 : memref<128x128xf32, #tpu.memory_space<vmem>>) dst(%dma_wait3A_129 : memref<10240x128xf32, #tpu.memory_space<vmem_shared>>)
        } else {
        }
        %dma_start3A = tpu.memref_slice %arg8[%mul3A_80] : memref<163840xi32, #tpu.memory_space<hbm>> -> memref<128xi32, #tpu.memory_space<hbm>>
        %dma_start3A_85 = tpu.memref_slice %arg8[%mul3A_80] : memref<163840xi32, #tpu.memory_space<hbm>> -> memref<128xi32, #tpu.memory_space<hbm>>
        tpu.enqueue_dma source(%dma_start3A_85 : memref<128xi32, #tpu.memory_space<hbm>>) target(%arg19 : memref<128xi32, #tpu.memory_space<vmem>>) target_semaphore(%arg25 : memref<!tpu.dma_semaphore, #tpu.memory_space<semaphore_mem>>)
        %dma_start3A_86 = tpu.memref_slice %arg9[%mul3A_80] : memref<163840xi32, #tpu.memory_space<hbm>> -> memref<128xi32, #tpu.memory_space<hbm>>
        %dma_start3A_87 = tpu.memref_slice %arg9[%mul3A_80] : memref<163840xi32, #tpu.memory_space<hbm>> -> memref<128xi32, #tpu.memory_space<hbm>>
        tpu.enqueue_dma source(%dma_start3A_87 : memref<128xi32, #tpu.memory_space<hbm>>) target(%arg21 : memref<128xi32, #tpu.memory_space<vmem>>) target_semaphore(%arg27 : memref<!tpu.dma_semaphore, #tpu.memory_space<semaphore_mem>>)
        %gt3A_88 = arith.constant 0 : i32
        %gt3A_89 = arith.cmpi sgt, %add3A_75, %gt3A_88 : i32
        %convert_element_type3A_90 = arith.extui %gt3A_89 : i1 to i32
        %cond3A_91 = arith.constant 0 : i32
        %cond3A_92 = arith.cmpi ne, %convert_element_type3A_90, %cond3A_91 : i32
        scf.if %cond3A_92 {
          %dma_wait3A_127 = arith.constant 0 : i32
          %dma_wait3A_128 = arith.constant 0 : i32
          %dma_wait3A_129 = tpu.memref_slice %arg18[%dma_wait3A_127, %dma_wait3A_128] : memref<10240x128xf32, #tpu.memory_space<vmem_shared>> -> memref<10240x128xf32, #tpu.memory_space<vmem_shared>>
          tpu.wait_indirect_dma semaphore(%arg32 : memref<!tpu.dma_semaphore, #tpu.memory_space<semaphore_mem>>) src(%arg24 : memref<128x128xf32, #tpu.memory_space<vmem>>) dst(%dma_wait3A_129 : memref<10240x128xf32, #tpu.memory_space<vmem_shared>>)
        } else {
        }
        %add3A_93 = arith.constant 128 : i32
        %add3A_94 = arith.addi %mul3A_80, %add3A_93 : i32
        %dma_start3A_95 = tpu.memref_slice %arg8[%add3A_94] : memref<163840xi32, #tpu.memory_space<hbm>> -> memref<128xi32, #tpu.memory_space<hbm>>
        %dma_start3A_96 = tpu.memref_slice %arg8[%add3A_94] : memref<163840xi32, #tpu.memory_space<hbm>> -> memref<128xi32, #tpu.memory_space<hbm>>
        tpu.enqueue_dma source(%dma_start3A_96 : memref<128xi32, #tpu.memory_space<hbm>>) target(%arg20 : memref<128xi32, #tpu.memory_space<vmem>>) target_semaphore(%arg26 : memref<!tpu.dma_semaphore, #tpu.memory_space<semaphore_mem>>)
        %add3A_97 = arith.constant 128 : i32
        %add3A_98 = arith.addi %mul3A_80, %add3A_97 : i32
        %dma_start3A_99 = tpu.memref_slice %arg9[%add3A_98] : memref<163840xi32, #tpu.memory_space<hbm>> -> memref<128xi32, #tpu.memory_space<hbm>>
        %dma_start3A_100 = tpu.memref_slice %arg9[%add3A_98] : memref<163840xi32, #tpu.memory_space<hbm>> -> memref<128xi32, #tpu.memory_space<hbm>>
        tpu.enqueue_dma source(%dma_start3A_100 : memref<128xi32, #tpu.memory_space<hbm>>) target(%arg22 : memref<128xi32, #tpu.memory_space<vmem>>) target_semaphore(%arg28 : memref<!tpu.dma_semaphore, #tpu.memory_space<semaphore_mem>>)
        %dma_wait3A_101 = tpu.memref_slice %arg8[%mul3A_80] : memref<163840xi32, #tpu.memory_space<hbm>> -> memref<128xi32, #tpu.memory_space<hbm>>
        %dma_wait3A_102 = tpu.memref_slice %arg8[%mul3A_80] : memref<163840xi32, #tpu.memory_space<hbm>> -> memref<128xi32, #tpu.memory_space<hbm>>
        tpu.wait_dma2 semaphore(%arg25 : memref<!tpu.dma_semaphore, #tpu.memory_space<semaphore_mem>>) src(%dma_wait3A_102 : memref<128xi32, #tpu.memory_space<hbm>>) dst(%arg19 : memref<128xi32, #tpu.memory_space<vmem>>)
        %dma_start3A_103 = arith.constant 0 : i32
        %dma_start3A_104 = arith.constant 0 : i32
        %dma_start3A_105 = tpu.memref_slice %arg5[%dma_start3A_103, %dma_start3A_104] : memref<10000x128xf32, #tpu.memory_space<hbm>> -> memref<10000x128xf32, #tpu.memory_space<hbm>>
        tpu.enqueue_indirect_dma source(%dma_start3A_105 : memref<10000x128xf32, #tpu.memory_space<hbm>>) target(%arg23 : memref<128x128xf32, #tpu.memory_space<vmem>>) offsets(%arg19 : memref<128xi32, #tpu.memory_space<vmem>>) semaphore(%arg29 : memref<!tpu.dma_semaphore, #tpu.memory_space<semaphore_mem>>)
        %dma_wait3A_106 = tpu.memref_slice %arg8[%add3A_94] : memref<163840xi32, #tpu.memory_space<hbm>> -> memref<128xi32, #tpu.memory_space<hbm>>
        %dma_wait3A_107 = tpu.memref_slice %arg8[%add3A_94] : memref<163840xi32, #tpu.memory_space<hbm>> -> memref<128xi32, #tpu.memory_space<hbm>>
        tpu.wait_dma2 semaphore(%arg26 : memref<!tpu.dma_semaphore, #tpu.memory_space<semaphore_mem>>) src(%dma_wait3A_107 : memref<128xi32, #tpu.memory_space<hbm>>) dst(%arg20 : memref<128xi32, #tpu.memory_space<vmem>>)
        %dma_start3A_108 = arith.constant 0 : i32
        %dma_start3A_109 = arith.constant 0 : i32
        %dma_start3A_110 = tpu.memref_slice %arg5[%dma_start3A_108, %dma_start3A_109] : memref<10000x128xf32, #tpu.memory_space<hbm>> -> memref<10000x128xf32, #tpu.memory_space<hbm>>
        tpu.enqueue_indirect_dma source(%dma_start3A_110 : memref<10000x128xf32, #tpu.memory_space<hbm>>) target(%arg24 : memref<128x128xf32, #tpu.memory_space<vmem>>) offsets(%arg20 : memref<128xi32, #tpu.memory_space<vmem>>) semaphore(%arg30 : memref<!tpu.dma_semaphore, #tpu.memory_space<semaphore_mem>>)
        %dma_wait3A_111 = arith.constant 0 : i32
        %dma_wait3A_112 = arith.constant 0 : i32
        %dma_wait3A_113 = tpu.memref_slice %arg5[%dma_wait3A_111, %dma_wait3A_112] : memref<10000x128xf32, #tpu.memory_space<hbm>> -> memref<10000x128xf32, #tpu.memory_space<hbm>>
        tpu.wait_indirect_dma semaphore(%arg29 : memref<!tpu.dma_semaphore, #tpu.memory_space<semaphore_mem>>) src(%dma_wait3A_113 : memref<10000x128xf32, #tpu.memory_space<hbm>>) dst(%arg23 : memref<128x128xf32, #tpu.memory_space<vmem>>)
        %dma_wait3A_114 = tpu.memref_slice %arg9[%mul3A_80] : memref<163840xi32, #tpu.memory_space<hbm>> -> memref<128xi32, #tpu.memory_space<hbm>>
        %dma_wait3A_115 = tpu.memref_slice %arg9[%mul3A_80] : memref<163840xi32, #tpu.memory_space<hbm>> -> memref<128xi32, #tpu.memory_space<hbm>>
        tpu.wait_dma2 semaphore(%arg27 : memref<!tpu.dma_semaphore, #tpu.memory_space<semaphore_mem>>) src(%dma_wait3A_115 : memref<128xi32, #tpu.memory_space<hbm>>) dst(%arg21 : memref<128xi32, #tpu.memory_space<vmem>>)
        %dma_start3A_116 = arith.constant 0 : i32
        %dma_start3A_117 = arith.constant 0 : i32
        %dma_start3A_118 = tpu.memref_slice %arg18[%dma_start3A_116, %dma_start3A_117] : memref<10240x128xf32, #tpu.memory_space<vmem_shared>> -> memref<10240x128xf32, #tpu.memory_space<vmem_shared>>
        tpu.enqueue_indirect_dma source(%arg23 : memref<128x128xf32, #tpu.memory_space<vmem>>) target(%dma_start3A_118 : memref<10240x128xf32, #tpu.memory_space<vmem_shared>>) offsets(%arg21 : memref<128xi32, #tpu.memory_space<vmem>>) semaphore(%arg31 : memref<!tpu.dma_semaphore, #tpu.memory_space<semaphore_mem>>) {add = true}
        %dma_wait3A_119 = arith.constant 0 : i32
        %dma_wait3A_120 = arith.constant 0 : i32
        %dma_wait3A_121 = tpu.memref_slice %arg5[%dma_wait3A_119, %dma_wait3A_120] : memref<10000x128xf32, #tpu.memory_space<hbm>> -> memref<10000x128xf32, #tpu.memory_space<hbm>>
        tpu.wait_indirect_dma semaphore(%arg30 : memref<!tpu.dma_semaphore, #tpu.memory_space<semaphore_mem>>) src(%dma_wait3A_121 : memref<10000x128xf32, #tpu.memory_space<hbm>>) dst(%arg24 : memref<128x128xf32, #tpu.memory_space<vmem>>)
        %dma_wait3A_122 = tpu.memref_slice %arg9[%add3A_98] : memref<163840xi32, #tpu.memory_space<hbm>> -> memref<128xi32, #tpu.memory_space<hbm>>
        %dma_wait3A_123 = tpu.memref_slice %arg9[%add3A_98] : memref<163840xi32, #tpu.memory_space<hbm>> -> memref<128xi32, #tpu.memory_space<hbm>>
        tpu.wait_dma2 semaphore(%arg28 : memref<!tpu.dma_semaphore, #tpu.memory_space<semaphore_mem>>) src(%dma_wait3A_123 : memref<128xi32, #tpu.memory_space<hbm>>) dst(%arg22 : memref<128xi32, #tpu.memory_space<vmem>>)
        %dma_start3A_124 = arith.constant 0 : i32
        %dma_start3A_125 = arith.constant 0 : i32
        %dma_start3A_126 = tpu.memref_slice %arg18[%dma_start3A_124, %dma_start3A_125] : memref<10240x128xf32, #tpu.memory_space<vmem_shared>> -> memref<10240x128xf32, #tpu.memory_space<vmem_shared>>
        tpu.enqueue_indirect_dma source(%arg24 : memref<128x128xf32, #tpu.memory_space<vmem>>) target(%dma_start3A_126 : memref<10240x128xf32, #tpu.memory_space<vmem_shared>>) offsets(%arg22 : memref<128xi32, #tpu.memory_space<vmem>>) semaphore(%arg32 : memref<!tpu.dma_semaphore, #tpu.memory_space<semaphore_mem>>) {add = true}
      }
      %scan3A_66 = arith.constant 40 : i32
      %dma_wait3A = arith.constant 0 : i32
      %dma_wait3A_67 = arith.constant 0 : i32
      %dma_wait3A_68 = tpu.memref_slice %arg18[%dma_wait3A, %dma_wait3A_67] : memref<10240x128xf32, #tpu.memory_space<vmem_shared>> -> memref<10240x128xf32, #tpu.memory_space<vmem_shared>>
      tpu.wait_indirect_dma semaphore(%arg31 : memref<!tpu.dma_semaphore, #tpu.memory_space<semaphore_mem>>) src(%arg23 : memref<128x128xf32, #tpu.memory_space<vmem>>) dst(%dma_wait3A_68 : memref<10240x128xf32, #tpu.memory_space<vmem_shared>>)
      %dma_wait3A_69 = arith.constant 0 : i32
      %dma_wait3A_70 = arith.constant 0 : i32
      %dma_wait3A_71 = tpu.memref_slice %arg18[%dma_wait3A_69, %dma_wait3A_70] : memref<10240x128xf32, #tpu.memory_space<vmem_shared>> -> memref<10240x128xf32, #tpu.memory_space<vmem_shared>>
      tpu.wait_indirect_dma semaphore(%arg32 : memref<!tpu.dma_semaphore, #tpu.memory_space<semaphore_mem>>) src(%arg24 : memref<128x128xf32, #tpu.memory_space<vmem>>) dst(%dma_wait3A_71 : memref<10240x128xf32, #tpu.memory_space<vmem_shared>>)
    } else {
    }
    %barrier3A_52 = arith.constant 0 : index
    tpu.barrier barrier_id(%barrier3A_52)
    %eq3A_53 = arith.constant 0 : i32
    %eq3A_54 = arith.cmpi eq, %arg0, %eq3A_53 : i32
    %convert_element_type3A_55 = arith.extui %eq3A_54 : i1 to i32
    %cond3A_56 = arith.constant 0 : i32
    %cond3A_57 = arith.cmpi ne, %convert_element_type3A_55, %cond3A_56 : i32
    scf.if %cond3A_57 {
      "tpu.region"() ({
        %run_scoped3A = tpu.sem_alloc : memref<!tpu.dma_semaphore, #tpu.memory_space<semaphore_mem>>
        %dma_start3A = arith.constant 0 : i32
        %dma_start3A_63 = tpu.memref_slice %arg14[%mul3A_0, %dma_start3A] : memref<10240x128xf32, #tpu.memory_space<hbm>> -> memref<640x128xf32, #tpu.memory_space<hbm>>
        %dma_start3A_64 = arith.constant 0 : i32
        %dma_start3A_65 = tpu.memref_slice %arg18[%mul3A_0, %dma_start3A_64] : memref<10240x128xf32, #tpu.memory_space<vmem_shared>> -> memref<640x128xf32, #tpu.memory_space<vmem_shared>>
        tpu.enqueue_dma source(%dma_start3A_65 : memref<640x128xf32, #tpu.memory_space<vmem_shared>>) target(%dma_start3A_63 : memref<640x128xf32, #tpu.memory_space<hbm>>) target_semaphore(%run_scoped3A : memref<!tpu.dma_semaphore, #tpu.memory_space<semaphore_mem>>)
        %dma_wait3A = arith.constant 0 : i32
        %dma_wait3A_66 = tpu.memref_slice %arg14[%mul3A_0, %dma_wait3A] : memref<10240x128xf32, #tpu.memory_space<hbm>> -> memref<640x128xf32, #tpu.memory_space<hbm>>
        %dma_wait3A_67 = arith.constant 0 : i32
        %dma_wait3A_68 = tpu.memref_slice %arg18[%mul3A_0, %dma_wait3A_67] : memref<10240x128xf32, #tpu.memory_space<vmem_shared>> -> memref<640x128xf32, #tpu.memory_space<vmem_shared>>
        tpu.wait_dma2 semaphore(%run_scoped3A : memref<!tpu.dma_semaphore, #tpu.memory_space<semaphore_mem>>) src(%dma_wait3A_68 : memref<640x128xf32, #tpu.memory_space<vmem_shared>>) dst(%dma_wait3A_66 : memref<640x128xf32, #tpu.memory_space<hbm>>)
        tpu.yield
      }) : () -> ()
    } else {
    }
    %eq3A_58 = arith.constant 1 : i32
    %eq3A_59 = arith.cmpi eq, %arg0, %eq3A_58 : i32
    %convert_element_type3A_60 = arith.extui %eq3A_59 : i1 to i32
    %cond3A_61 = arith.constant 0 : i32
    %cond3A_62 = arith.cmpi ne, %convert_element_type3A_60, %cond3A_61 : i32
    scf.if %cond3A_62 {
      "tpu.region"() ({
        %run_scoped3A = tpu.sem_alloc : memref<!tpu.dma_semaphore, #tpu.memory_space<semaphore_mem>>
        %dma_start3A = arith.constant 0 : i32
        %dma_start3A_63 = tpu.memref_slice %arg15[%mul3A_0, %dma_start3A] : memref<10240x128xf32, #tpu.memory_space<hbm>> -> memref<640x128xf32, #tpu.memory_space<hbm>>
        %dma_start3A_64 = arith.constant 0 : i32
        %dma_start3A_65 = tpu.memref_slice %arg18[%mul3A_0, %dma_start3A_64] : memref<10240x128xf32, #tpu.memory_space<vmem_shared>> -> memref<640x128xf32, #tpu.memory_space<vmem_shared>>
        tpu.enqueue_dma source(%dma_start3A_65 : memref<640x128xf32, #tpu.memory_space<vmem_shared>>) target(%dma_start3A_63 : memref<640x128xf32, #tpu.memory_space<hbm>>) target_semaphore(%run_scoped3A : memref<!tpu.dma_semaphore, #tpu.memory_space<semaphore_mem>>)
        %dma_wait3A = arith.constant 0 : i32
        %dma_wait3A_66 = tpu.memref_slice %arg15[%mul3A_0, %dma_wait3A] : memref<10240x128xf32, #tpu.memory_space<hbm>> -> memref<640x128xf32, #tpu.memory_space<hbm>>
        %dma_wait3A_67 = arith.constant 0 : i32
        %dma_wait3A_68 = tpu.memref_slice %arg18[%mul3A_0, %dma_wait3A_67] : memref<10240x128xf32, #tpu.memory_space<vmem_shared>> -> memref<640x128xf32, #tpu.memory_space<vmem_shared>>
        tpu.wait_dma2 semaphore(%run_scoped3A : memref<!tpu.dma_semaphore, #tpu.memory_space<semaphore_mem>>) src(%dma_wait3A_68 : memref<640x128xf32, #tpu.memory_space<vmem_shared>>) dst(%dma_wait3A_66 : memref<640x128xf32, #tpu.memory_space<hbm>>)
        tpu.yield
      }) : () -> ()
    } else {
    }
    return
  }
}

module attributes {stable_mosaic.version = 14 : i64} {
  func.func @_tc_body(%arg0: i32, %arg1: memref<256x256xf32, #tpu.memory_space<vmem>>, %arg2: memref<256x128xf32, #tpu.memory_space<vmem>>, %arg3: memref<256x128xf32, #tpu.memory_space<vmem>>, %arg4: memref<256x128xf32, #tpu.memory_space<vmem>>, %arg5: memref<256x128xf32, #tpu.memory_space<vmem>>, %arg6: memref<256x128xf32, #tpu.memory_space<vmem>>, %arg7: memref<256x128xf32, #tpu.memory_space<vmem>>, %arg8: memref<256x256xf32, #tpu.memory_space<vmem>>, %arg9: memref<256x256xf32, #tpu.memory_space<vmem>>, %arg10: memref<256x256xf32, #tpu.memory_space<vmem>>, %arg11: memref<256x256xf32, #tpu.memory_space<vmem>>, %arg12: memref<1x256xf32, #tpu.memory_space<vmem>>, %arg13: memref<1x256xf32, #tpu.memory_space<vmem>>, %arg14: memref<1x256xf32, #tpu.memory_space<vmem>>, %arg15: memref<256x256xf32, #tpu.memory_space<vmem>>) attributes {dimension_semantics = [#tpu.dimension_semantics<arbitrary>], iteration_bounds = array<i64: 40>, scalar_prefetch = 0 : i64, scratch_operands = 0 : i64, tpu.core_type = #tpu.core_type<tc>, window_params = [{transform_indices = @transform_0, window_bounds = array<i64: 256, 256>}, {transform_indices = @transform_1, window_bounds = array<i64: 256, 128>}, {transform_indices = @transform_2, window_bounds = array<i64: 256, 128>}, {transform_indices = @transform_3, window_bounds = array<i64: 256, 128>}, {transform_indices = @transform_4, window_bounds = array<i64: 256, 128>}, {transform_indices = @transform_5, window_bounds = array<i64: 256, 128>}, {transform_indices = @transform_6, window_bounds = array<i64: 256, 128>}, {pipeline_mode = #tpu.pipeline_mode<synchronous>, transform_indices = @transform_7, window_bounds = array<i64: 256, 256>}, {pipeline_mode = #tpu.pipeline_mode<synchronous>, transform_indices = @transform_8, window_bounds = array<i64: 256, 256>}, {pipeline_mode = #tpu.pipeline_mode<synchronous>, transform_indices = @transform_9, window_bounds = array<i64: 256, 256>}, {pipeline_mode = #tpu.pipeline_mode<synchronous>, transform_indices = @transform_10, window_bounds = array<i64: 256, 256>}, {pipeline_mode = #tpu.pipeline_mode<synchronous>, transform_indices = @transform_11, window_bounds = array<i64: 1, 256>}, {pipeline_mode = #tpu.pipeline_mode<synchronous>, transform_indices = @transform_12, window_bounds = array<i64: 1, 256>}, {pipeline_mode = #tpu.pipeline_mode<synchronous>, transform_indices = @transform_13, window_bounds = array<i64: 1, 256>}, {transform_indices = @transform_14, window_bounds = array<i64: 256, 256>}]} {
    %get3A = arith.constant 0 : index
    %get3A_0 = arith.constant 0 : index
    %get3A_1 = vector.load %arg6[%get3A, %get3A_0] : memref<256x128xf32, #tpu.memory_space<vmem>>, vector<256x1xf32>
    %max3A = arith.constant 1.000000e+00 : f32
    %max3A_2 = vector.broadcast %max3A : f32 to vector<256x1xf32>
    %max3A_3 = arith.maximumf %get3A_1, %max3A_2 : vector<256x1xf32>
    %div3A = arith.constant 1.000000e+00 : f32
    %div3A_4 = vector.broadcast %div3A : f32 to vector<256x1xf32>
    %div3A_5 = arith.divf %div3A_4, %max3A_3 : vector<256x1xf32>
    %get3A_6 = arith.constant 0 : index
    %get3A_7 = arith.constant 0 : index
    %get3A_8 = vector.load %arg7[%get3A_6, %get3A_7] : memref<256x128xf32, #tpu.memory_space<vmem>>, vector<256x1xf32>
    %max3A_9 = arith.constant 1.000000e+00 : f32
    %max3A_10 = vector.broadcast %max3A_9 : f32 to vector<256x1xf32>
    %max3A_11 = arith.maximumf %get3A_8, %max3A_10 : vector<256x1xf32>
    %div3A_12 = arith.constant 1.000000e+00 : f32
    %div3A_13 = vector.broadcast %div3A_12 : f32 to vector<256x1xf32>
    %div3A_14 = arith.divf %div3A_13, %max3A_11 : vector<256x1xf32>
    %get3A_15 = arith.constant 0 : index
    %get3A_16 = arith.constant 0 : index
    %get3A_17 = vector.load %arg8[%get3A_15, %get3A_16] : memref<256x256xf32, #tpu.memory_space<vmem>>, vector<256x256xf32>
    %get3A_18 = arith.constant 0 : index
    %get3A_19 = arith.constant 0 : index
    %get3A_20 = vector.load %arg10[%get3A_18, %get3A_19] : memref<256x256xf32, #tpu.memory_space<vmem>>, vector<256x256xf32>
    %get3A_21 = arith.constant 0 : index
    %get3A_22 = arith.constant 0 : index
    %get3A_23 = vector.load %arg2[%get3A_21, %get3A_22] : memref<256x128xf32, #tpu.memory_space<vmem>>, vector<256x128xf32>
    %mul3A = vector.broadcast %div3A_5 : vector<256x1xf32> to vector<256x128xf32>
    %mul3A_24 = arith.mulf %get3A_23, %mul3A : vector<256x128xf32>
    %slice3A = vector.extract_strided_slice %get3A_17 {offsets = [0, 0], sizes = [128, 256], strides = [1, 1]} : vector<256x256xf32> to vector<128x256xf32>
    %dot_general3A = arith.constant dense<0.000000e+00> : vector<256x256xf32>
    %dot_general3A_25 = tpu.matmul %mul3A_24, %slice3A, %dot_general3A {dimension_numbers = #tpu.dot_dimension_numbers<[1], [0], [0], [1], [0, 0, 1, 1], [], []>, transpose_lhs_hint = false} : vector<256x128xf32>, vector<128x256xf32>, vector<256x256xf32> -> vector<256x256xf32>
    %get3A_26 = arith.constant 0 : index
    %get3A_27 = arith.constant 0 : index
    %get3A_28 = vector.load %arg3[%get3A_26, %get3A_27] : memref<256x128xf32, #tpu.memory_space<vmem>>, vector<256x128xf32>
    %mul3A_29 = vector.broadcast %div3A_5 : vector<256x1xf32> to vector<256x128xf32>
    %mul3A_30 = arith.mulf %get3A_28, %mul3A_29 : vector<256x128xf32>
    %slice3A_31 = vector.extract_strided_slice %get3A_17 {offsets = [128, 0], sizes = [128, 256], strides = [1, 1]} : vector<256x256xf32> to vector<128x256xf32>
    %dot_general3A_32 = arith.constant dense<0.000000e+00> : vector<256x256xf32>
    %dot_general3A_33 = tpu.matmul %mul3A_30, %slice3A_31, %dot_general3A_32 {dimension_numbers = #tpu.dot_dimension_numbers<[1], [0], [0], [1], [0, 0, 1, 1], [], []>, transpose_lhs_hint = false} : vector<256x128xf32>, vector<128x256xf32>, vector<256x256xf32> -> vector<256x256xf32>
    %add3A = arith.addf %dot_general3A_25, %dot_general3A_33 : vector<256x256xf32>
    %get3A_34 = arith.constant 0 : index
    %get3A_35 = arith.constant 0 : index
    %get3A_36 = vector.load %arg4[%get3A_34, %get3A_35] : memref<256x128xf32, #tpu.memory_space<vmem>>, vector<256x128xf32>
    %mul3A_37 = vector.broadcast %div3A_14 : vector<256x1xf32> to vector<256x128xf32>
    %mul3A_38 = arith.mulf %get3A_36, %mul3A_37 : vector<256x128xf32>
    %slice3A_39 = vector.extract_strided_slice %get3A_20 {offsets = [0, 0], sizes = [128, 256], strides = [1, 1]} : vector<256x256xf32> to vector<128x256xf32>
    %dot_general3A_40 = arith.constant dense<0.000000e+00> : vector<256x256xf32>
    %dot_general3A_41 = tpu.matmul %mul3A_38, %slice3A_39, %dot_general3A_40 {dimension_numbers = #tpu.dot_dimension_numbers<[1], [0], [0], [1], [0, 0, 1, 1], [], []>, transpose_lhs_hint = false} : vector<256x128xf32>, vector<128x256xf32>, vector<256x256xf32> -> vector<256x256xf32>
    %add3A_42 = arith.addf %add3A, %dot_general3A_41 : vector<256x256xf32>
    %get3A_43 = arith.constant 0 : index
    %get3A_44 = arith.constant 0 : index
    %get3A_45 = vector.load %arg5[%get3A_43, %get3A_44] : memref<256x128xf32, #tpu.memory_space<vmem>>, vector<256x128xf32>
    %mul3A_46 = vector.broadcast %div3A_14 : vector<256x1xf32> to vector<256x128xf32>
    %mul3A_47 = arith.mulf %get3A_45, %mul3A_46 : vector<256x128xf32>
    %slice3A_48 = vector.extract_strided_slice %get3A_20 {offsets = [128, 0], sizes = [128, 256], strides = [1, 1]} : vector<256x256xf32> to vector<128x256xf32>
    %dot_general3A_49 = arith.constant dense<0.000000e+00> : vector<256x256xf32>
    %dot_general3A_50 = tpu.matmul %mul3A_47, %slice3A_48, %dot_general3A_49 {dimension_numbers = #tpu.dot_dimension_numbers<[1], [0], [0], [1], [0, 0, 1, 1], [], []>, transpose_lhs_hint = false} : vector<256x128xf32>, vector<128x256xf32>, vector<256x256xf32> -> vector<256x256xf32>
    %add3A_51 = arith.addf %add3A_42, %dot_general3A_50 : vector<256x256xf32>
    %get3A_52 = arith.constant 0 : index
    %get3A_53 = arith.constant 0 : index
    %get3A_54 = vector.load %arg1[%get3A_52, %get3A_53] : memref<256x256xf32, #tpu.memory_space<vmem>>, vector<256x256xf32>
    %get3A_55 = arith.constant 0 : index
    %get3A_56 = arith.constant 0 : index
    %get3A_57 = vector.load %arg9[%get3A_55, %get3A_56] : memref<256x256xf32, #tpu.memory_space<vmem>>, vector<256x256xf32>
    %get3A_58 = arith.constant 0 : index
    %get3A_59 = arith.constant 0 : index
    %get3A_60 = vector.load %arg11[%get3A_58, %get3A_59] : memref<256x256xf32, #tpu.memory_space<vmem>>, vector<256x256xf32>
    %add3A_61 = arith.addf %get3A_57, %get3A_60 : vector<256x256xf32>
    %dot_general3A_62 = arith.constant dense<0.000000e+00> : vector<256x256xf32>
    %dot_general3A_63 = tpu.matmul %get3A_54, %add3A_61, %dot_general3A_62 {dimension_numbers = #tpu.dot_dimension_numbers<[1], [0], [0], [1], [0, 0, 1, 1], [], []>, transpose_lhs_hint = false} : vector<256x256xf32>, vector<256x256xf32>, vector<256x256xf32> -> vector<256x256xf32>
    %add3A_64 = arith.addf %add3A_51, %dot_general3A_63 : vector<256x256xf32>
    %get3A_65 = arith.constant 0 : index
    %get3A_66 = arith.constant 0 : index
    %get3A_67 = vector.load %arg12[%get3A_65, %get3A_66] : memref<1x256xf32, #tpu.memory_space<vmem>>, vector<1x256xf32>
    %add3A_68 = vector.broadcast %get3A_67 : vector<1x256xf32> to vector<256x256xf32>
    %add3A_69 = arith.addf %add3A_64, %add3A_68 : vector<256x256xf32>
    %max3A_70 = arith.constant 0.000000e+00 : f32
    %max3A_71 = vector.broadcast %max3A_70 : f32 to vector<256x256xf32>
    %max3A_72 = arith.maximumf %add3A_69, %max3A_71 : vector<256x256xf32>
    %reduce_sum3A = arith.constant dense<0.000000e+00> : vector<256xf32>
    %reduce_sum3A_73 = vector.multi_reduction <add>, %max3A_72, %reduce_sum3A [1] : vector<256x256xf32> to vector<256xf32>
    %broadcast_in_dim3A = vector.shape_cast %reduce_sum3A_73 : vector<256xf32> to vector<256x1xf32>
    %div3A_74 = arith.constant 2.560000e+02 : f32
    %div3A_75 = vector.broadcast %div3A_74 : f32 to vector<256x1xf32>
    %div3A_76 = arith.divf %broadcast_in_dim3A, %div3A_75 : vector<256x1xf32>
    %sub3A = vector.broadcast %div3A_76 : vector<256x1xf32> to vector<256x256xf32>
    %sub3A_77 = arith.subf %max3A_72, %sub3A : vector<256x256xf32>
    %mul3A_78 = arith.mulf %sub3A_77, %sub3A_77 : vector<256x256xf32>
    %reduce_sum3A_79 = arith.constant dense<0.000000e+00> : vector<256xf32>
    %reduce_sum3A_80 = vector.multi_reduction <add>, %mul3A_78, %reduce_sum3A_79 [1] : vector<256x256xf32> to vector<256xf32>
    %broadcast_in_dim3A_81 = vector.shape_cast %reduce_sum3A_80 : vector<256xf32> to vector<256x1xf32>
    %div3A_82 = arith.constant 2.560000e+02 : f32
    %div3A_83 = vector.broadcast %div3A_82 : f32 to vector<256x1xf32>
    %div3A_84 = arith.divf %broadcast_in_dim3A_81, %div3A_83 : vector<256x1xf32>
    %add3A_85 = arith.constant 9.99999974E-6 : f32
    %add3A_86 = vector.broadcast %add3A_85 : f32 to vector<256x1xf32>
    %add3A_87 = arith.addf %div3A_84, %add3A_86 : vector<256x1xf32>
    %rsqrt3A = math.rsqrt %add3A_87 : vector<256x1xf32>
    %mul3A_88 = vector.broadcast %rsqrt3A : vector<256x1xf32> to vector<256x256xf32>
    %mul3A_89 = arith.mulf %sub3A_77, %mul3A_88 : vector<256x256xf32>
    %get3A_90 = arith.constant 0 : index
    %get3A_91 = arith.constant 0 : index
    %get3A_92 = vector.load %arg13[%get3A_90, %get3A_91] : memref<1x256xf32, #tpu.memory_space<vmem>>, vector<1x256xf32>
    %mul3A_93 = vector.broadcast %get3A_92 : vector<1x256xf32> to vector<256x256xf32>
    %mul3A_94 = arith.mulf %mul3A_89, %mul3A_93 : vector<256x256xf32>
    %get3A_95 = arith.constant 0 : index
    %get3A_96 = arith.constant 0 : index
    %get3A_97 = vector.load %arg14[%get3A_95, %get3A_96] : memref<1x256xf32, #tpu.memory_space<vmem>>, vector<1x256xf32>
    %add3A_98 = vector.broadcast %get3A_97 : vector<1x256xf32> to vector<256x256xf32>
    %add3A_99 = arith.addf %mul3A_94, %add3A_98 : vector<256x256xf32>
    %swap3A = arith.constant 0 : index
    %swap3A_100 = arith.constant 0 : index
    %swap3A_101 = vector.load %arg15[%swap3A, %swap3A_100] : memref<256x256xf32, #tpu.memory_space<vmem>>, vector<256x256xf32>
    tpu.vector_store %arg15[%swap3A, %swap3A_100], %add3A_99 {strides = array<i32>} : memref<256x256xf32, #tpu.memory_space<vmem>>, vector<256x256xf32>,
    return
  }
  func.func @transform_0(%arg0: i32) -> (i32, i32) {
    %c0_i32 = arith.constant 0 : i32
    %c0_i32_0 = arith.constant 0 : i32
    return %arg0, %c0_i32 : i32, i32
  }
  func.func @transform_1(%arg0: i32) -> (i32, i32) {
    %c0_i32 = arith.constant 0 : i32
    %c0_i32_0 = arith.constant 0 : i32
    return %arg0, %c0_i32 : i32, i32
  }
  func.func @transform_2(%arg0: i32) -> (i32, i32) {
    %c0_i32 = arith.constant 0 : i32
    %c0_i32_0 = arith.constant 0 : i32
    return %arg0, %c0_i32 : i32, i32
  }
  func.func @transform_3(%arg0: i32) -> (i32, i32) {
    %c0_i32 = arith.constant 0 : i32
    %c0_i32_0 = arith.constant 0 : i32
    return %arg0, %c0_i32 : i32, i32
  }
  func.func @transform_4(%arg0: i32) -> (i32, i32) {
    %c0_i32 = arith.constant 0 : i32
    %c0_i32_0 = arith.constant 0 : i32
    return %arg0, %c0_i32 : i32, i32
  }
  func.func @transform_5(%arg0: i32) -> (i32, i32) {
    %c0_i32 = arith.constant 0 : i32
    %c0_i32_0 = arith.constant 0 : i32
    return %arg0, %c0_i32 : i32, i32
  }
  func.func @transform_6(%arg0: i32) -> (i32, i32) {
    %c0_i32 = arith.constant 0 : i32
    %c0_i32_0 = arith.constant 0 : i32
    return %arg0, %c0_i32 : i32, i32
  }
  func.func @transform_7(%arg0: i32) -> (i32, i32) {
    %c0_i32 = arith.constant 0 : i32
    %c0_i32_0 = arith.constant 0 : i32
    %c0_i32_1 = arith.constant 0 : i32
    return %c0_i32, %c0_i32_0 : i32, i32
  }
  func.func @transform_8(%arg0: i32) -> (i32, i32) {
    %c0_i32 = arith.constant 0 : i32
    %c0_i32_0 = arith.constant 0 : i32
    %c0_i32_1 = arith.constant 0 : i32
    return %c0_i32, %c0_i32_0 : i32, i32
  }
  func.func @transform_9(%arg0: i32) -> (i32, i32) {
    %c0_i32 = arith.constant 0 : i32
    %c0_i32_0 = arith.constant 0 : i32
    %c0_i32_1 = arith.constant 0 : i32
    return %c0_i32, %c0_i32_0 : i32, i32
  }
  func.func @transform_10(%arg0: i32) -> (i32, i32) {
    %c0_i32 = arith.constant 0 : i32
    %c0_i32_0 = arith.constant 0 : i32
    %c0_i32_1 = arith.constant 0 : i32
    return %c0_i32, %c0_i32_0 : i32, i32
  }
  func.func @transform_11(%arg0: i32) -> (i32, i32) {
    %c0_i32 = arith.constant 0 : i32
    %c0_i32_0 = arith.constant 0 : i32
    %c0_i32_1 = arith.constant 0 : i32
    return %c0_i32, %c0_i32_0 : i32, i32
  }
  func.func @transform_12(%arg0: i32) -> (i32, i32) {
    %c0_i32 = arith.constant 0 : i32
    %c0_i32_0 = arith.constant 0 : i32
    %c0_i32_1 = arith.constant 0 : i32
    return %c0_i32, %c0_i32_0 : i32, i32
  }
  func.func @transform_13(%arg0: i32) -> (i32, i32) {
    %c0_i32 = arith.constant 0 : i32
    %c0_i32_0 = arith.constant 0 : i32
    %c0_i32_1 = arith.constant 0 : i32
    return %c0_i32, %c0_i32_0 : i32, i32
  }
  func.func @transform_14(%arg0: i32) -> (i32, i32) {
    %c0_i32 = arith.constant 0 : i32
    %c0_i32_0 = arith.constant 0 : i32
    return %arg0, %c0_i32 : i32, i32
  }
}

</mosaic_0001>

<sc_bundles>
// kernel: kernel.4.cloned.1.call-start
scs
__scs_entry_jumppad:
0x0: {  	(pc) =	sbr.rel $0x88, $3  }
0x1: {  	(tag) =	ssettag $0x0;
	lr =	simm.s32 $0x1  }
0x2: {  	[smem:$0x3F96] =	sst lr;
	_ =	strace $0xD0000000  }
0x3: {  	_ = 	snop  }
0x4: {  	_ = 	snop  }
0x5: {  	_ = 	snop  }
0x6: {  	_ = 	snop  }
0x7: {  	_ = 	snop  }
__scs_overlays_trampoline_lowered:
0x8: {  	[smem:$0x3FA5] =	sst s0  }
0x9: {  	[smem:$0x3FA6] =	sst s1  }
0xa: {  	[smem:$0x3FA7] =	sst s2  }
0xb: {  	[smem:$0x3FA8] =	sst s3  }
0xc: {  	[smem:$0x3FA9] =	sst s4  }
0xd: {  	[smem:$0x3FAA] =	sst s5  }
0xe: {  	[smem:$0x3FAB] =	sst s6  }
0xf: {  	[smem:$0x3FAC] =	sst s7  }
0x10: {  	[smem:$0x3FAD] =	sst s8  }
0x11: {  	[smem:$0x3FAE] =	sst s9;
	s0 =	simm.s32 @!p0 $0x0  }
0x12: {  	s1 =	sld [smem:$0x3F94];
	s0 =	simm.s32 @p0 $0x1  }
0x13: {  	[smem:$0x3FAF] =	sst s0;
	s0 =	simm.s32 @!p1 $0x0  }
0x14: {  	s2 =	sld [smem:$0x3F93];
	s0 =	simm.s32 @p1 $0x1  }
0x15: {  	[smem:$0x3FB0] =	sst s0;
	s0 =	simm.s32 @!p2 $0x0  }
0x16: {  	s3 =	sld [smem:$0x3FDB];
	s0 =	simm.s32 @p2 $0x1  }
0x17: {  	s4 =	simm.s32 $0x1BF5;
	[smem:$0x3FB2] =	sst s0  }
0x18: {  	s0 =	sld [smem:$0x3F95];
	_ =	swait.ge [sflag:s4], $0x0  }
0x19: {  	s7 =	sld [smem:$0x3F96]  }
0x1a: {  	s8 =	sadd.s32 $0xFFFFE003, lr  }
0x1b: {  	s9 =	sadd.s32 $0xFFFFFEF7, lr;
	s5 =	simm.s32 $0xFFFFFFFF;
	p2 =	slt.u32 s8, $0xFFFFF086  }
0x1c: {  	p1 =	slt.u32 s9, $0xF7A;
	s5 =	simm.s32 @!p2 $0x0  }
0x1d: {  	s5 =	simm.s32 @p1 $0x1;
	p0 =	seq.s32 s7, s2  }
0x1e: {  	s7 =	smul.u32 @!p0 $0xF7A, s2;
	p2 =	seq.s32 @!p0 s5, $0x0  }
0x1f: {  	s9 =	smul.u32 $0xF7A, s1;
	s8 =	simm.s32 @!p0 $0x1BF5;
	p2 =	por !p2, p0  }
0x20: {  	[sflag:s8] =	ssyncset.s32 @!p0 $0xFFFFF086;
	s6 =	sadd.s32 @!p0 s3, s7;
	s7 =	simm.s32 @!p0 $0x108  }
0x21: {  	s3 =	sadd.s32 s3, s9;
	s6 =	sadd.s32 @!p0 $0x88, s6;
	s7 =	simm.s32 @p2 $0x1082  }
0x22: {  	[simem:s7], [sflag:s8] =	dma.local @!p0 [hbm:s6], $0xF7A  }
0x23: {  	s9 =	sor.u32 $0xD0000000, s2;
	s6 =	simm.s32 $0x108;
	_ =	swait.ge @!p0 [sflag:s8], $0x0  }
0x24: {  	s3 =	sadd.s32 $0x88, s3;
	s6 =	simm.s32 @!p1 $0x1082;
	[sflag:s4] =	ssyncset.s32 $0xFFFFF086  }
0x25: {  	[simem:s6], [sflag:s4] =	dma.local [hbm:s3], $0xF7A  }
0x26: {  	[smem:$0x3F96] =	sst s1;
	(tag) =	ssettag s2;
	_ =	strace s9  }
0x27: {  	s1 =	sld [smem:$0x3FA6]  }
0x28: {  	s2 =	sld [smem:$0x3FA7]  }
0x29: {  	s4 =	sld [smem:$0x3FA9]  }
0x2a: {  	p0 =	seq.s32 s5, $0x0;
	s5 =	sld [smem:$0x3FAA]  }
0x2b: {  	s6 =	sld [smem:$0x3FAB]  }
0x2c: {  	s7 =	sld [smem:$0x3FAC]  }
0x2d: {  	s3 =	simm.s32 $0x108;
	s8 =	sld [smem:$0x3FAD]  }
0x2e: {  	s3 =	simm.s32 @!p0 $0x1082;
	s9 =	sld [smem:$0x3FAE]  }
0x2f: {  	lr =	sadd.s32 s0, s3;
	s0 =	sld [smem:$0x3FA5]  }
0x30: {  	s3 =	sld [smem:$0x3FA8]  }
0x31: {  	[smem:$0x3FB1] =	sst s10  }
0x32: {  	s10 =	sld [smem:$0x3FAF];
	_ =	sdelay $0x3  }
0x33: {  	p0 =	seq.s32 s10, $0x1;
	s10 =	sld [smem:$0x3FB1];
	_ =	sdelay $0x3  }
0x34: {  	[smem:$0x3FB1] =	sst s10  }
0x35: {  	s10 =	sld [smem:$0x3FB0];
	_ =	sdelay $0x3  }
0x36: {  	p1 =	seq.s32 s10, $0x1;
	s10 =	sld [smem:$0x3FB1];
	_ =	sdelay $0x3  }
0x37: {  	[smem:$0x3FB1] =	sst s10  }
0x38: {  	s10 =	sld [smem:$0x3FB2]  }
0x39: {  	_ = 	snop;
	(pc) =	sbr.ind lr, $3  }
0x3a: {  	_ = 	snop  }
0x3b: {  	_ = 	snop  }
0x3c: {  	p2 =	seq.s32 s10, $0x1;
	s10 =	sld [smem:$0x3FB1]  }
0x3d: {  	_ =	shalt  }
0x3e: {  	_ =	shalt  }
0x3f: {  	_ =	shalt  }
0x40: {  	_ =	shalt  }
0x41: {  	_ =	shalt  }
0x42: {  	_ =	shalt  }
0x43: {  	_ =	shalt  }
0x44: {  	_ =	shalt  }
0x45: {  	_ =	shalt  }
0x46: {  	_ =	shalt  }
0x47: {  	_ =	shalt  }
0x48: {  	_ =	shalt  }
0x49: {  	_ =	shalt  }
0x4a: {  	_ =	shalt  }
0x4b: {  	_ =	shalt  }
0x4c: {  	_ =	shalt  }
0x4d: {  	_ =	shalt  }
0x4e: {  	_ =	shalt  }
0x4f: {  	_ =	shalt  }
0x50: {  	_ =	shalt  }
0x51: {  	_ =	shalt  }
0x52: {  	_ =	shalt  }
0x53: {  	_ =	shalt  }
0x54: {  	_ =	shalt  }
0x55: {  	_ =	shalt  }
0x56: {  	_ =	shalt  }
0x57: {  	_ =	shalt  }
0x58: {  	_ =	shalt  }
0x59: {  	_ =	shalt  }
0x5a: {  	_ =	shalt  }
0x5b: {  	_ =	shalt  }
0x5c: {  	_ =	shalt  }
0x5d: {  	_ =	shalt  }
0x5e: {  	_ =	shalt  }
0x5f: {  	_ =	shalt  }
0x60: {  	_ =	shalt  }
0x61: {  	_ =	shalt  }
0x62: {  	_ =	shalt  }
0x63: {  	_ =	shalt  }
0x64: {  	_ =	shalt  }
0x65: {  	_ =	shalt  }
0x66: {  	_ =	shalt  }
0x67: {  	_ =	shalt  }
0x68: {  	_ =	shalt  }
0x69: {  	_ =	shalt  }
0x6a: {  	_ =	shalt  }
0x6b: {  	_ =	shalt  }
0x6c: {  	_ =	shalt  }
0x6d: {  	_ =	shalt  }
0x6e: {  	_ =	shalt  }
0x6f: {  	_ =	shalt  }
0x70: {  	_ =	shalt  }
0x71: {  	_ =	shalt  }
0x72: {  	_ =	shalt  }
0x73: {  	_ =	shalt  }
0x74: {  	_ =	shalt  }
0x75: {  	_ =	shalt  }
0x76: {  	_ =	shalt  }
0x77: {  	_ =	shalt  }
0x78: {  	_ =	shalt  }
0x79: {  	_ =	shalt  }
0x7a: {  	_ =	shalt  }
0x7b: {  	_ =	shalt  }
0x7c: {  	_ =	shalt  }
0x7d: {  	_ =	shalt  }
0x7e: {  	_ =	shalt  }
0x7f: {  	_ =	shalt  }
0x80: {  	_ =	shalt  }
0x81: {  	_ =	shalt  }
0x82: {  	_ =	shalt  }
0x83: {  	_ =	shalt  }
0x84: {  	_ =	shalt  }
0x85: {  	_ =	shalt  }
0x86: {  	_ =	shalt  }
0x87: {  	_ =	shalt  }
.Lfunc_end0:
.L_simem_size_0:
called_computation_lowered:
.L_overlay_start_0:
0x88: {  	s2 =	sld [smem:$0x3FD9]  }
0x89: {  	s3 =	sld [smem:$0x3FFE];
	_ =	sdelay $0x1  }
0x8a: {  	s1 =	srdreg.scid  }
0x8b: {  	s0 =	sand.u32 $0x1, s1  }
0x8c: {  	s17 =	sshll.u32 s0, $0xA;
	s2 =	sadd.s32 s3, s2  }
0x8d: {  	s2 =	sadd.s32 s2, s17  }
0x8e: {  	[smem:$0x3FBD] =	sst s2  }
0x8f: {  	_ = 	snop  }
0x90: {  	s2 =	sld [smem:$0x3FD0];
	(tm) =	ssettm $0x1  }
0x91: {  	s18 =	sld [smem:$0x3FFB];
	_ =	sdelay $0x3  }
0x92: {  	_ =	strace s18  }
0x93: {  	s3 =	sld [smem:$0x3FFC];
	_ =	sdelay $0x3  }
0x94: {  	_ =	strace s3  }
0x95: {  	s3 =	sld [smem:$0x3FFD];
	_ =	sdelay $0x3  }
0x96: {  	_ =	strace s3  }
0x97: {  	_ =	strace $0x8FFFFFFF  }
0x98: {  	s19 =	sld [smem:$0x3FDB];
	_ =	sdelay $0x1  }
0x99: {  	s4 =	simm.s32 $_scs_section_size  }
0x9a: {  	s5 =	simm.s32 $_size__tile_overlayer_lowered;
	s6 =	simm.s32 $_tile_overlayer_lowered  }
0x9b: {  	s22 =	simm.s32 $0x1BFF;
	s21 =	sshll.u32 s6, $0x1;
	s3 =	sadd.s32 s4, s19  }
0x9c: {  	s7 =	simm.s32 $0x0;
	s20 =	sshll.u32 s5, $0x1;
	s5 =	sadd.s32 s21, s3  }
0x9d: {  	[timem:s7], [sflag:s22] =	dma.local [hbm:s5], s20  }
0x9e: {  	_ =	swait.ge [sflag:s22], s20  }
0x9f: {  	s4 =	ssub.s32 $0x0, s20;
	[sflag:s22] =	ssyncset.done $0x0  }
0xa0: {  	[sflag:s22] =	ssyncadd.s32 s4;
	_ =	sdelay $0x1  }
0xa1: {  	s23 =	simm.s32 $0x1B8B  }
0xa2: {  	_ =	swait.ge [sflag:s23], $0x1  }
0xa3: {  	[sflag:s23] =	ssyncset.done $0x0  }
0xa4: {  	s25 =	simm.s32 $0x1B8E;
	s24 =	sld [smem:$0x3FFE];
	[sflag:s23] =	ssyncadd.s32 $0xFFFFFFFF  }
0xa5: {  	s26 =	simm.s32 $execute0_lowered;
	[smem:$0x3FD2] =	sst s25  }
0xa6: {  	s5 =	sshll.u32 s26, $0x1;
	_ =	strace $0x80000046;
	[dreg:$0x1] =	wrdreg $0xFFFFFFFF  }
0xa7: {  	s28 =	simm.s32 $_size_execute0_lowered;
	s3 =	sadd.s32 s3, s5;
	[dreg:$0x0] =	wrdreg $0x0  }
0xa8: {  	s5 =	sshll.u32 s28, $0x1;
	[dreg:$0x2] =	wrdreg s3  }
0xa9: {  	[dreg:$0x3] =	wrdreg s5  }
0xaa: {  	[dreg:$0x4] =	wrdreg $0xC0  }
0xab: {  	_ =	task [dreg:s7], $0x5FFFF  }
0xac: {  	[dreg:$0x1] =	wrdreg $0xFFFFFFFF  }
0xad: {  	[dreg:$0x0] =	wrdreg $0x60  }
0xae: {  	[dreg:$0x2] =	wrdreg s24  }
0xaf: {  	[dreg:$0x3] =	wrdreg s2  }
0xb0: {  	[dreg:$0x4] =	wrdreg $0x0  }
0xb1: {  	[dreg:$0x5] =	wrdreg $0x9  }
0xb2: {  	_ =	task.clear_ibuf [dreg:s7], $0x6FFFF;
	_ =	strace $0x90000046  }
0xb3: {  	s29 =	simm.s32 $0x9;
	_ =	strace $0x80000048  }
0xb4: {  	_ =	swait.ge [sflag:s29], $0x1  }
0xb5: {  	[sflag:s29] =	ssyncadd.s32 $0xFFFFFFFF  }
0xb6: {  	_ =	strace $0x90000048  }
0xb7: {  	_ =	sfence  }
0xb8: {  	s30 =	sld [smem:$0x0];
	_ =	sdelay $0x2  }
0xb9: {  	s31 =	sshll.u32 s1, $0xD;
	s1 =	sshrl.u32 s1, $0x2  }
0xba: {  	s3 =	sand.u32 $0x4000, s31;
	s1 =	sadd.s32 s1, s30  }
0xbb: {  	s0 =	sor.u32 s3, s0;
	s1 =	sshll.u32 s1, $0x11  }
0xbc: {  	s0 =	sor.u32 s1, s0  }
0xbd: {  	s0 =	sadd.s32 $0x8F2B, s0  }
0xbe: {  	[sflag:s0] =	ssyncadd.remote.s32 $0x1  }
0xbf: {  	_ =	sfence.sel $0xFFFF  }
0xc0: {  	[dreg:$0x0] =	wrdreg $0xFFFFFFFF;
	(pc) =	sbr.abs _section_cstart, $3  }
0xc1: {  	[dreg:$0x1] =	wrdreg $0xFFFFFFFF  }
0xc2: {  	_ =	task.clear_ibuf [dreg:s7], $0x2FFFF;
	_ =	strace $0x9FFFFFFF  }
0xc3: {  	(tm) =	ssettm $0x7FFFFFFF  }
tec
execute0_lowered:
.L_overlay_start_1:
0x0: {  	(tag) =	ssettag $0x1  }
0x1: {  	s0 =	rddreg [dreg:$0x0]  }
0x2: {  	s7 =	rddreg [dreg:$0x1]  }
0x3: {  	s1 =	rddreg [dreg:$0x2]  }
0x4: {  	s2 =	simm.s32 $0x0;
	s11 =	srdreg.scid;
	s21 =	stileid.u32  }
0x5: {  	s31 =	simm.s32 $0x9;
	s29 =	simm.s32 $0x7;
	s30 =	simm.s32 $0x14000  }
0x6: {  	[smem:$0x7FF] =	sst s2;
	s3 =	sadd.s32 $0x63400, s0;
	s4 =	sadd.s32 $0x8A600, s0  }
0x7: {  	s5 =	sadd.s32 $0x3C200, s0;
	s6 =	sadd.s32 $0x15000, s0;
	s8 =	sadd.s32 $0x1000, s0  }
0x8: {  	s9 =	sadd.s32 $0xB000, s0;
	s10 =	sadd.s32 $0x6000, s0;
	s15 =	sadd.s32 $0x10000, s0  }
0x9: {  	s12 =	sadd.s32 $0xB1800, s0;
	s11 =	sand.u32 $0x1, s11;
	s24 =	sadd.s32 $0xB2000, s0  }
0xa: {  	s13 =	sadd.s32 $0xDA000, s0;
	_ =	strace $0x80000047;
	[dreg:$0x4] =	wrdreg s12  }
0xb: {  	s16 =	smul.u32 $0x500, s21;
	s14 =	sadd.s32 $0x102000, s0;
	[dreg:$0x5] =	wrdreg s24  }
0xc: {  	s19 =	smul.u32 $0x50000, s21;
	s25 =	ssub.s32 $0x2, s11;
	[dreg:$0x6] =	wrdreg s13  }
0xd: {  	[dreg:$0x7] =	wrdreg s14;
	p0 =	seq.s32 s11, $0x0;
	s24 =	sshll.u32 s21, $0x6  }
0xe: {  	s11 =	simm.s32 $0x80;
	s20 =	sor.u32 $0x10, s16;
	s24 =	sor.u32 $0x1C09, s24  }
0xf: {  	s14 =	sadd.s32 s8, s16;
	s8 =	sadd.s32 s8, s20;
	[dreg:$0x12] =	wrdreg s24  }
0x10: {  	s26 =	sshrl.u32 s25, $0x1;
	s28 =	sadd.s32 s9, s20;
	[dreg:$0x8] =	wrdreg s8  }
0x11: {  	s13 =	sadd.s32 s9, s16;
	s9 =	sadd.s32 s10, s20;
	[dreg:$0x9] =	wrdreg s28  }
0x12: {  	s17 =	sadd.s32 s10, s16;
	s10 =	sadd.s32 s15, s20;
	[dreg:$0xa] =	wrdreg s9  }
0x13: {  	s12 =	sadd.s32 s15, s16;
	s15 =	sadd.s32 $0x12A000, s0;
	[dreg:$0xb] =	wrdreg s10  }
0x14: {  	s16 =	smul.u32 $0x2800, s21;
	s20 =	sadd.s32 $0x152000, s0;
	[dreg:$0xc] =	wrdreg s15  }
0x15: {  	s22 =	sshrl.u32 s19, $0x2;
	s0 =	sadd.s32 $0x17A000, s0;
	[dreg:$0xe] =	wrdreg s20  }
0x16: {  	s19 =	simm.s32 $0x6;
	s18 =	ssub.s32 s25, s26;
	[dreg:$0xf] =	wrdreg s0  }
0x17: {  	s26 =	sadd.s32 $0x10, s12;
	s0 =	sadd.s32 s22, s1;
	[dreg:$0xd] =	wrdreg s16  }
0x18: {  	s23 =	sadd.s32 s7, s16;
	s25 =	smax.u32 s18, $0x1;
	[dreg:$0x14] =	wrdreg s26  }
0x19: {  	s28 =	sadd.s32 $0x10, s13;
	s7 =	simm.s32 $0x14100;
	s9 =	simm.s32 $0x14180  }
.Ltmp0:
0x1a: {  	s10 =	simm.s32 $0x3;
	[dreg:$0x10] =	wrdreg s0;
	(pc) =	sbr.rel .LBB2_1-.Ltmp0, $4  }
0x1b: {  	s20 =	simm.s32 $0x4;
	s22 =	simm.s32 $0x8;
	[dreg:$0x11] =	wrdreg s23  }
0x1c: {  	s8 =	simm.s32 $0x1;
	s15 =	simm.s32 $0x14200;
	[dreg:$0x13] =	wrdreg s25  }
0x1d: {  	s16 =	simm.s32 $0x2;
	s18 =	simm.s32 $0x5;
	[dreg:$0x15] =	wrdreg s28  }
0x1e: {  	s0 =	simm.s32 $0x18200;
	s23 =	simm.s32 $0x14080;
	s25 =	simm.s32 $0x0  }
.LBB2_21:
0x1f: {  	[spmem:s1] =	stream.indirect.scatter.add.f32 [tilespmem:s0], [sflag:$0x8], $0x80, s9, s11, $0xb8;
	[tilespmem:$0x1C200] =	vst v63  }
0x20: {  	s25 =	rddreg [dreg:$0x7]  }
0x21: {  	s24 =	rddreg [dreg:$0x12]  }
0x22: {  	s26 =	rddreg [dreg:$0x16]  }
.LBB2_22:
0x23: {  	_ =	swait.ge [sflag:s29], $0x4000  }
0x24: {  	[sflag:s29] =	ssyncset.done $0x0  }
0x25: {  	[sflag:s29] =	ssyncadd.s32 $0xFFFFC000  }
0x26: {  	_ =	swait.ge [sflag:s22], $0x4000  }
0x27: {  	[sflag:s22] =	ssyncset.done $0x0  }
0x28: {  	s21 =	rddreg [dreg:$0xd];
	[sflag:s22] =	ssyncadd.s32 $0xFFFFC000  }
0x29: {  	s21 =	sadd.s32 s25, s21;
	[bflag:$0x0] =	sbarrier.arrive $0xFFFF  }
0x2a: {  	[hbm:s21], [sflag:s24] =	dma.local [spmem:s28], $0x2800  }
0x2b: {  	_ =	swait.ge [sflag:s31], $0x2800  }
0x2c: {  	s25 =	sadd.s32 $0x1, s26;
	s28 =	rddreg [dreg:$0x13]  }
0x2d: {  	p1 =	sne.s32 s25, s28  }
.Ltmp1:
0x2e: {  	_ = 	snop;
	(pc) =	sbr.rel @!p1 .LBB2_23-.Ltmp1, $3  }
0x2f: {  	_ =	sdelay $0x1  }
0x30: {  	[sflag:s31] =	ssyncset.done $0x0  }
0x31: {  	[sflag:s31] =	ssyncadd.s32 $0xFFFFD800  }
.LBB2_1:
0x32: {  	s21 =	rddreg [dreg:$0x10]  }
0x33: {  	s26 =	rddreg [dreg:$0x11];
	s28 =	sshrl.u32 s21, $0x3  }
0x34: {  	[spmem:s28], [sflag:s24] =	dma.local [hbm:s26], $0x2800  }
0x35: {  	_ =	swait.ge [sflag:s31], $0x2800  }
0x36: {  	[sflag:s31] =	ssyncset.done $0x0  }
0x37: {  	s26 =	rddreg [dreg:$0x4];
	[sflag:s31] =	ssyncadd.s32 $0xFFFFD800  }
0x38: {  	[tilespmem:s0], [sflag:$0x9] =	stream.linear.gather [hbm4b:s26+s2], $0x4000, $0x38;
	[tilespmem:$0x1C200] =	vst v63  }
.Ltmp2:
0x39: {  	_ =	swait.ge [sflag:s31], $0x4000;
	(pc) =	sbr.rel @!p0 .LBB2_2-.Ltmp2, $4  }
0x3a: {  	[sflag:s31] =	ssyncset.done $0x0  }
0x3b: {  	[sflag:s31] =	ssyncadd.s32 $0xFFFFC000  }
0x3c: {  	[bflag:$0x0] =	sbarrier.arrive $0xFFFF  }
0x3d: {  	[dreg:$0x16] =	wrdreg s25  }
0x3e: {  	[tilespmem:s7], [sflag:$0x3] =	stream.linear.gather [hbm4b:s13+s2], $0x80, $0x38;
	[tilespmem:$0x1C200] =	vst v63  }
0x3f: {  	s21 =	rddreg [dreg:$0x15]  }
0x40: {  	[tilespmem:s9], [sflag:$0x4] =	stream.linear.gather [hbm4b:s21+s2], $0x80, $0x38;
	[tilespmem:$0x1C200] =	vst v63  }
0x41: {  	_ =	swait.ge [sflag:s10], $0x80  }
0x42: {  	[sflag:s10] =	ssyncset.done $0x0  }
0x43: {  	[sflag:s10] =	ssyncadd.s32 $0xFFFFFF80  }
0x44: {  	[spmem:s1] =	stream.indirect.scatter.add.f32 [tilespmem:s0], [sflag:$0x7], $0x80, s7, s11, $0xb8;
	[tilespmem:$0x1C200] =	vst v63  }
0x45: {  	_ =	swait.ge [sflag:s20], $0x80  }
0x46: {  	[sflag:s20] =	ssyncset.done $0x0  }
0x47: {  	[sflag:s20] =	ssyncadd.s32 $0xFFFFFF80  }
0x48: {  	[spmem:s1] =	stream.indirect.scatter.add.f32 [tilespmem:s0], [sflag:$0x8], $0x80, s9, s11, $0xb8;
	[tilespmem:$0x1C200] =	vst v63  }
0x49: {  	_ =	swait.ge [sflag:s29], $0x4000  }
0x4a: {  	[sflag:s29] =	ssyncset.done $0x0  }
0x4b: {  	[sflag:s29] =	ssyncadd.s32 $0xFFFFC000  }
0x4c: {  	_ =	swait.ge [sflag:s22], $0x4000  }
0x4d: {  	s25 =	sadd.s32 $0xFFFFFB20, s13;
	[sflag:s22] =	ssyncset.done $0x0  }
0x4e: {  	s26 =	sadd.s32 $0x500, s25;
	[sflag:s22] =	ssyncadd.s32 $0xFFFFC000  }
0x4f: {  	[tilespmem:s7], [sflag:$0x3] =	stream.linear.gather [hbm4b:s26+s2], $0x80, $0x38;
	[tilespmem:$0x1C200] =	vst v63  }
0x50: {  	s26 =	sadd.s32 $0x510, s25  }
0x51: {  	[tilespmem:s9], [sflag:$0x4] =	stream.linear.gather [hbm4b:s26+s2], $0x80, $0x38;
	[tilespmem:$0x1C200] =	vst v63  }
0x52: {  	_ =	swait.ge [sflag:s10], $0x80  }
0x53: {  	[sflag:s10] =	ssyncset.done $0x0  }
0x54: {  	[sflag:s10] =	ssyncadd.s32 $0xFFFFFF80  }
0x55: {  	[spmem:s1] =	stream.indirect.scatter.add.f32 [tilespmem:s0], [sflag:$0x7], $0x80, s7, s11, $0xb8;
	[tilespmem:$0x1C200] =	vst v63  }
0x56: {  	_ =	swait.ge [sflag:s20], $0x80  }
0x57: {  	[sflag:s20] =	ssyncset.done $0x0  }
0x58: {  	s25 =	simm.s32 $0xFFFFFB40;
	[sflag:s20] =	ssyncadd.s32 $0xFFFFFF80  }
.LBB2_6:
0x59: {  	[spmem:s1] =	stream.indirect.scatter.add.f32 [tilespmem:s0], [sflag:$0x8], $0x80, s9, s11, $0xb8;
	[tilespmem:$0x1C200] =	vst v63  }
0x5a: {  	s21 =	smov.u32 s25  }
0x5b: {  	p1 =	seq.s32 s25, $0xFFFFFFE0;
	s25 =	sadd.s32 $0x20, s25;
	_ =	swait.ge [sflag:s29], $0x4000  }
0x5c: {  	[sflag:s29] =	ssyncset.done $0x0  }
0x5d: {  	[sflag:s29] =	ssyncadd.s32 $0xFFFFC000  }
0x5e: {  	_ =	swait.ge [sflag:s22], $0x4000  }
0x5f: {  	s21 =	sadd.s32 s21, s13;
	[sflag:s22] =	ssyncset.done $0x0  }
0x60: {  	s26 =	sadd.s32 $0x500, s21;
	[sflag:s22] =	ssyncadd.s32 $0xFFFFC000  }
0x61: {  	[tilespmem:s7], [sflag:$0x3] =	stream.linear.gather [hbm4b:s26+s2], $0x80, $0x38;
	[tilespmem:$0x1C200] =	vst v63  }
0x62: {  	s21 =	sadd.s32 $0x510, s21  }
0x63: {  	[tilespmem:s9], [sflag:$0x4] =	stream.linear.gather [hbm4b:s21+s2], $0x80, $0x38;
	[tilespmem:$0x1C200] =	vst v63  }
0x64: {  	_ =	swait.ge [sflag:s10], $0x80  }
0x65: {  	[sflag:s10] =	ssyncset.done $0x0  }
.Ltmp3:
0x66: {  	[sflag:s10] =	ssyncadd.s32 $0xFFFFFF80;
	(pc) =	sbr.rel @!p1 .LBB2_6-.Ltmp3, $4  }
0x67: {  	[spmem:s1] =	stream.indirect.scatter.add.f32 [tilespmem:s0], [sflag:$0x7], $0x80, s7, s11, $0xb8;
	[tilespmem:$0x1C200] =	vst v63  }
0x68: {  	_ =	swait.ge [sflag:s20], $0x80  }
0x69: {  	[sflag:s20] =	ssyncset.done $0x0  }
0x6a: {  	[sflag:s20] =	ssyncadd.s32 $0xFFFFFF80  }
.Ltmp4:
0x6b: {  	(pc) =	sbr.rel .LBB2_8-.Ltmp4, $3  }
0x6c: {  	_ =	sdelay $0x1  }
0x6d: {  	[spmem:s1] =	stream.indirect.scatter.add.f32 [tilespmem:s0], [sflag:$0x8], $0x80, s9, s11, $0xb8;
	[tilespmem:$0x1C200] =	vst v63  }
0x6e: {  	s25 =	rddreg [dreg:$0xe]  }
.LBB2_2:
0x6f: {  	[tilespmem:s7], [sflag:$0x3] =	stream.linear.gather [hbm4b:s12+s2], $0x80, $0x38;
	[tilespmem:$0x1C200] =	vst v63  }
0x70: {  	s21 =	rddreg [dreg:$0x14]  }
0x71: {  	[tilespmem:s9], [sflag:$0x4] =	stream.linear.gather [hbm4b:s21+s2], $0x80, $0x38;
	[tilespmem:$0x1C200] =	vst v63  }
0x72: {  	_ =	swait.ge [sflag:s10], $0x80  }
0x73: {  	[sflag:s10] =	ssyncset.done $0x0  }
0x74: {  	[sflag:s10] =	ssyncadd.s32 $0xFFFFFF80  }
0x75: {  	[spmem:s1] =	stream.indirect.scatter.add.f32 [tilespmem:s0], [sflag:$0x7], $0x80, s7, s11, $0xb8;
	[tilespmem:$0x1C200] =	vst v63  }
0x76: {  	_ =	swait.ge [sflag:s20], $0x80  }
0x77: {  	[sflag:s20] =	ssyncset.done $0x0  }
0x78: {  	[sflag:s20] =	ssyncadd.s32 $0xFFFFFF80  }
0x79: {  	[spmem:s1] =	stream.indirect.scatter.add.f32 [tilespmem:s0], [sflag:$0x8], $0x80, s9, s11, $0xb8;
	[tilespmem:$0x1C200] =	vst v63  }
0x7a: {  	_ =	swait.ge [sflag:s29], $0x4000  }
0x7b: {  	[sflag:s29] =	ssyncset.done $0x0  }
0x7c: {  	[sflag:s29] =	ssyncadd.s32 $0xFFFFC000  }
0x7d: {  	_ =	swait.ge [sflag:s22], $0x4000  }
0x7e: {  	s26 =	sadd.s32 $0xFFFFFB20, s12;
	[sflag:s22] =	ssyncset.done $0x0  }
0x7f: {  	s25 =	sadd.s32 $0x500, s26;
	[sflag:s22] =	ssyncadd.s32 $0xFFFFC000  }
0x80: {  	[tilespmem:s7], [sflag:$0x3] =	stream.linear.gather [hbm4b:s25+s2], $0x80, $0x38;
	[tilespmem:$0x1C200] =	vst v63  }
0x81: {  	s21 =	sadd.s32 $0x510, s26  }
0x82: {  	[tilespmem:s9], [sflag:$0x4] =	stream.linear.gather [hbm4b:s21+s2], $0x80, $0x38;
	[tilespmem:$0x1C200] =	vst v63  }
0x83: {  	_ =	swait.ge [sflag:s10], $0x80  }
0x84: {  	[sflag:s10] =	ssyncset.done $0x0  }
0x85: {  	[sflag:s10] =	ssyncadd.s32 $0xFFFFFF80  }
0x86: {  	[spmem:s1] =	stream.indirect.scatter.add.f32 [tilespmem:s0], [sflag:$0x7], $0x80, s7, s11, $0xb8;
	[tilespmem:$0x1C200] =	vst v63  }
0x87: {  	_ =	swait.ge [sflag:s20], $0x80  }
0x88: {  	[sflag:s20] =	ssyncset.done $0x0  }
0x89: {  	s25 =	simm.s32 $0xFFFFFB40;
	[sflag:s20] =	ssyncadd.s32 $0xFFFFFF80  }
.LBB2_3:
0x8a: {  	[spmem:s1] =	stream.indirect.scatter.add.f32 [tilespmem:s0], [sflag:$0x8], $0x80, s9, s11, $0xb8;
	[tilespmem:$0x1C200] =	vst v63  }
0x8b: {  	s21 =	smov.u32 s25  }
0x8c: {  	p1 =	sne.s32 s25, $0xFFFFFFE0;
	s25 =	sadd.s32 $0x20, s25;
	_ =	swait.ge [sflag:s29], $0x4000  }
0x8d: {  	[sflag:s29] =	ssyncset.done $0x0  }
0x8e: {  	[sflag:s29] =	ssyncadd.s32 $0xFFFFC000  }
0x8f: {  	_ =	swait.ge [sflag:s22], $0x4000  }
0x90: {  	s21 =	sadd.s32 s21, s12;
	[sflag:s22] =	ssyncset.done $0x0  }
0x91: {  	s26 =	sadd.s32 $0x500, s21;
	[sflag:s22] =	ssyncadd.s32 $0xFFFFC000  }
0x92: {  	[tilespmem:s7], [sflag:$0x3] =	stream.linear.gather [hbm4b:s26+s2], $0x80, $0x38;
	[tilespmem:$0x1C200] =	vst v63  }
0x93: {  	s21 =	sadd.s32 $0x510, s21  }
0x94: {  	[tilespmem:s9], [sflag:$0x4] =	stream.linear.gather [hbm4b:s21+s2], $0x80, $0x38;
	[tilespmem:$0x1C200] =	vst v63  }
0x95: {  	_ =	swait.ge [sflag:s10], $0x80  }
0x96: {  	[sflag:s10] =	ssyncset.done $0x0  }
.Ltmp5:
0x97: {  	[sflag:s10] =	ssyncadd.s32 $0xFFFFFF80;
	(pc) =	sbr.rel @p1 .LBB2_3-.Ltmp5, $4  }
0x98: {  	[spmem:s1] =	stream.indirect.scatter.add.f32 [tilespmem:s0], [sflag:$0x7], $0x80, s7, s11, $0xb8;
	[tilespmem:$0x1C200] =	vst v63  }
0x99: {  	_ =	swait.ge [sflag:s20], $0x80  }
0x9a: {  	[sflag:s20] =	ssyncset.done $0x0  }
0x9b: {  	[sflag:s20] =	ssyncadd.s32 $0xFFFFFF80  }
0x9c: {  	[spmem:s1] =	stream.indirect.scatter.add.f32 [tilespmem:s0], [sflag:$0x8], $0x80, s9, s11, $0xb8;
	[tilespmem:$0x1C200] =	vst v63  }
0x9d: {  	s25 =	rddreg [dreg:$0xf]  }
.LBB2_8:
0x9e: {  	_ =	swait.ge [sflag:s29], $0x4000  }
0x9f: {  	[sflag:s29] =	ssyncset.done $0x0  }
0xa0: {  	[sflag:s29] =	ssyncadd.s32 $0xFFFFC000  }
0xa1: {  	_ =	swait.ge [sflag:s22], $0x4000  }
0xa2: {  	[sflag:s22] =	ssyncset.done $0x0  }
0xa3: {  	s21 =	rddreg [dreg:$0xd];
	[sflag:s22] =	ssyncadd.s32 $0xFFFFC000  }
0xa4: {  	s21 =	sadd.s32 s25, s21;
	[bflag:$0x0] =	sbarrier.arrive $0xFFFF  }
0xa5: {  	[hbm:s21], [sflag:s24] =	dma.local [spmem:s28], $0x2800  }
0xa6: {  	_ =	swait.ge [sflag:s31], $0x2800  }
0xa7: {  	[sflag:s31] =	ssyncset.done $0x0  }
0xa8: {  	s26 =	rddreg [dreg:$0x11];
	[sflag:s31] =	ssyncadd.s32 $0xFFFFD800  }
0xa9: {  	[spmem:s28], [sflag:s24] =	dma.local [hbm:s26], $0x2800  }
.Ltmp6:
0xaa: {  	_ =	swait.ge [sflag:s31], $0x2800;
	(pc) =	sbr.rel @!p0 .LBB2_9-.Ltmp6, $3  }
0xab: {  	[sflag:s31] =	ssyncset.done $0x0  }
0xac: {  	[sflag:s31] =	ssyncadd.s32 $0xFFFFD800  }
0xad: {  	[bflag:$0x0] =	sbarrier.arrive $0xFFFF;
	_ =	sdelay $0x1  }
0xae: {  	[tilespmem:s30], [sflag:$0x1] =	stream.linear.gather [hbm4b:s14+s2], $0x80, $0x38;
	[tilespmem:$0x1C200] =	vst v63  }
0xaf: {  	_ = 	snop  }
0xb0: {  	[tilespmem:s7], [sflag:$0x3] =	stream.linear.gather [hbm4b:s13+s2], $0x80, $0x38;
	[tilespmem:$0x1C200] =	vst v63  }
0xb1: {  	s21 =	rddreg [dreg:$0x8]  }
0xb2: {  	[tilespmem:s23], [sflag:$0x2] =	stream.linear.gather [hbm4b:s21+s2], $0x80, $0x38;
	[tilespmem:$0x1C200] =	vst v63  }
0xb3: {  	s26 =	rddreg [dreg:$0x9]  }
0xb4: {  	[tilespmem:s9], [sflag:$0x4] =	stream.linear.gather [hbm4b:s26+s2], $0x80, $0x38;
	[tilespmem:$0x1C200] =	vst v63  }
0xb5: {  	_ =	swait.ge [sflag:s8], $0x80  }
0xb6: {  	[sflag:s8] =	ssyncset.done $0x0  }
0xb7: {  	[sflag:s8] =	ssyncadd.s32 $0xFFFFFF80  }
0xb8: {  	[tilespmem:s15], [sflag:$0x5] =	stream.indirect.gather [hbm4b:s3+s11], $0x80, s30, s11, $0xb8;
	[tilespmem:$0x1C200] =	vst v63  }
0xb9: {  	_ =	swait.ge [sflag:s16], $0x80  }
0xba: {  	[sflag:s16] =	ssyncset.done $0x0  }
0xbb: {  	[sflag:s16] =	ssyncadd.s32 $0xFFFFFF80  }
0xbc: {  	[tilespmem:s0], [sflag:$0x6] =	stream.indirect.gather [hbm4b:s3+s11], $0x80, s23, s11, $0xb8;
	[tilespmem:$0x1C200] =	vst v63  }
0xbd: {  	_ =	swait.ge [sflag:s18], $0x4000  }
0xbe: {  	[sflag:s18] =	ssyncset.done $0x0  }
0xbf: {  	[sflag:s18] =	ssyncadd.s32 $0xFFFFC000  }
0xc0: {  	_ =	swait.ge [sflag:s10], $0x80  }
0xc1: {  	[sflag:s10] =	ssyncset.done $0x0  }
0xc2: {  	[sflag:s10] =	ssyncadd.s32 $0xFFFFFF80  }
0xc3: {  	[spmem:s1] =	stream.indirect.scatter.add.f32 [tilespmem:s15], [sflag:$0x7], $0x80, s7, s11, $0xb8;
	[tilespmem:$0x1C200] =	vst v63  }
0xc4: {  	_ =	swait.ge [sflag:s19], $0x4000  }
0xc5: {  	[sflag:s19] =	ssyncset.done $0x0  }
0xc6: {  	[sflag:s19] =	ssyncadd.s32 $0xFFFFC000  }
0xc7: {  	_ =	swait.ge [sflag:s20], $0x80  }
0xc8: {  	[sflag:s20] =	ssyncset.done $0x0  }
0xc9: {  	[sflag:s20] =	ssyncadd.s32 $0xFFFFFF80  }
0xca: {  	[spmem:s1] =	stream.indirect.scatter.add.f32 [tilespmem:s0], [sflag:$0x8], $0x80, s9, s11, $0xb8;
	[tilespmem:$0x1C200] =	vst v63  }
0xcb: {  	_ =	swait.ge [sflag:s29], $0x4000  }
0xcc: {  	s21 =	sadd.s32 $0xFFFFFB20, s14;
	[sflag:s29] =	ssyncset.done $0x0  }
0xcd: {  	s25 =	sadd.s32 $0x500, s21;
	s26 =	sadd.s32 $0xFFFFFB20, s13;
	[sflag:s29] =	ssyncadd.s32 $0xFFFFC000  }
0xce: {  	[tilespmem:s30], [sflag:$0x1] =	stream.linear.gather [hbm4b:s25+s2], $0x80, $0x38;
	[tilespmem:$0x1C200] =	vst v63  }
0xcf: {  	s24 =	sadd.s32 $0x500, s26  }
0xd0: {  	[tilespmem:s7], [sflag:$0x3] =	stream.linear.gather [hbm4b:s24+s2], $0x80, $0x38;
	[tilespmem:$0x1C200] =	vst v63  }
0xd1: {  	_ =	swait.ge [sflag:s22], $0x4000  }
0xd2: {  	[sflag:s22] =	ssyncset.done $0x0  }
0xd3: {  	s21 =	sadd.s32 $0x510, s21;
	[sflag:s22] =	ssyncadd.s32 $0xFFFFC000  }
0xd4: {  	[tilespmem:s23], [sflag:$0x2] =	stream.linear.gather [hbm4b:s21+s2], $0x80, $0x38;
	[tilespmem:$0x1C200] =	vst v63  }
0xd5: {  	s26 =	sadd.s32 $0x510, s26  }
0xd6: {  	[tilespmem:s9], [sflag:$0x4] =	stream.linear.gather [hbm4b:s26+s2], $0x80, $0x38;
	[tilespmem:$0x1C200] =	vst v63  }
0xd7: {  	_ =	swait.ge [sflag:s8], $0x80  }
0xd8: {  	[sflag:s8] =	ssyncset.done $0x0  }
0xd9: {  	[sflag:s8] =	ssyncadd.s32 $0xFFFFFF80  }
0xda: {  	[tilespmem:s15], [sflag:$0x5] =	stream.indirect.gather [hbm4b:s3+s11], $0x80, s30, s11, $0xb8;
	[tilespmem:$0x1C200] =	vst v63  }
0xdb: {  	_ =	swait.ge [sflag:s16], $0x80  }
0xdc: {  	[sflag:s16] =	ssyncset.done $0x0  }
0xdd: {  	[sflag:s16] =	ssyncadd.s32 $0xFFFFFF80  }
0xde: {  	[tilespmem:s0], [sflag:$0x6] =	stream.indirect.gather [hbm4b:s3+s11], $0x80, s23, s11, $0xb8;
	[tilespmem:$0x1C200] =	vst v63  }
0xdf: {  	_ =	swait.ge [sflag:s18], $0x4000  }
0xe0: {  	[sflag:s18] =	ssyncset.done $0x0  }
0xe1: {  	[sflag:s18] =	ssyncadd.s32 $0xFFFFC000  }
0xe2: {  	_ =	swait.ge [sflag:s10], $0x80  }
0xe3: {  	[sflag:s10] =	ssyncset.done $0x0  }
0xe4: {  	[sflag:s10] =	ssyncadd.s32 $0xFFFFFF80  }
0xe5: {  	[spmem:s1] =	stream.indirect.scatter.add.f32 [tilespmem:s15], [sflag:$0x7], $0x80, s7, s11, $0xb8;
	[tilespmem:$0x1C200] =	vst v63  }
0xe6: {  	_ =	swait.ge [sflag:s19], $0x4000  }
0xe7: {  	[sflag:s19] =	ssyncset.done $0x0  }
0xe8: {  	[sflag:s19] =	ssyncadd.s32 $0xFFFFC000  }
0xe9: {  	_ =	swait.ge [sflag:s20], $0x80  }
0xea: {  	[sflag:s20] =	ssyncset.done $0x0  }
0xeb: {  	s25 =	simm.s32 $0xFFFFFB40;
	[sflag:s20] =	ssyncadd.s32 $0xFFFFFF80  }
.LBB2_13:
0xec: {  	[spmem:s1] =	stream.indirect.scatter.add.f32 [tilespmem:s0], [sflag:$0x8], $0x80, s9, s11, $0xb8;
	[tilespmem:$0x1C200] =	vst v63  }
0xed: {  	s21 =	smov.u32 s25  }
0xee: {  	p1 =	seq.s32 s25, $0xFFFFFFE0;
	s25 =	sadd.s32 $0x20, s25;
	_ =	swait.ge [sflag:s29], $0x4000  }
0xef: {  	s26 =	sadd.s32 s21, s14;
	[sflag:s29] =	ssyncset.done $0x0  }
0xf0: {  	s21 =	sadd.s32 s21, s13;
	s24 =	sadd.s32 $0x500, s26;
	[sflag:s29] =	ssyncadd.s32 $0xFFFFC000  }
0xf1: {  	[tilespmem:s30], [sflag:$0x1] =	stream.linear.gather [hbm4b:s24+s2], $0x80, $0x38;
	[tilespmem:$0x1C200] =	vst v63  }
0xf2: {  	s24 =	sadd.s32 $0x500, s21  }
0xf3: {  	[tilespmem:s7], [sflag:$0x3] =	stream.linear.gather [hbm4b:s24+s2], $0x80, $0x38;
	[tilespmem:$0x1C200] =	vst v63  }
0xf4: {  	_ =	swait.ge [sflag:s22], $0x4000  }
0xf5: {  	[sflag:s22] =	ssyncset.done $0x0  }
0xf6: {  	s24 =	sadd.s32 $0x510, s26;
	[sflag:s22] =	ssyncadd.s32 $0xFFFFC000  }
0xf7: {  	[tilespmem:s23], [sflag:$0x2] =	stream.linear.gather [hbm4b:s24+s2], $0x80, $0x38;
	[tilespmem:$0x1C200] =	vst v63  }
0xf8: {  	s21 =	sadd.s32 $0x510, s21  }
0xf9: {  	[tilespmem:s9], [sflag:$0x4] =	stream.linear.gather [hbm4b:s21+s2], $0x80, $0x38;
	[tilespmem:$0x1C200] =	vst v63  }
0xfa: {  	_ =	swait.ge [sflag:s8], $0x80  }
0xfb: {  	[sflag:s8] =	ssyncset.done $0x0  }
0xfc: {  	[sflag:s8] =	ssyncadd.s32 $0xFFFFFF80  }
0xfd: {  	[tilespmem:s15], [sflag:$0x5] =	stream.indirect.gather [hbm4b:s3+s11], $0x80, s30, s11, $0xb8;
	[tilespmem:$0x1C200] =	vst v63  }
0xfe: {  	_ =	swait.ge [sflag:s16], $0x80  }
0xff: {  	[sflag:s16] =	ssyncset.done $0x0  }
0x100: {  	[sflag:s16] =	ssyncadd.s32 $0xFFFFFF80  }
0x101: {  	[tilespmem:s0], [sflag:$0x6] =	stream.indirect.gather [hbm4b:s3+s11], $0x80, s23, s11, $0xb8;
	[tilespmem:$0x1C200] =	vst v63  }
0x102: {  	_ =	swait.ge [sflag:s18], $0x4000  }
0x103: {  	[sflag:s18] =	ssyncset.done $0x0  }
0x104: {  	[sflag:s18] =	ssyncadd.s32 $0xFFFFC000  }
0x105: {  	_ =	swait.ge [sflag:s10], $0x80  }
0x106: {  	[sflag:s10] =	ssyncset.done $0x0  }
0x107: {  	[sflag:s10] =	ssyncadd.s32 $0xFFFFFF80  }
0x108: {  	[spmem:s1] =	stream.indirect.scatter.add.f32 [tilespmem:s15], [sflag:$0x7], $0x80, s7, s11, $0xb8;
	[tilespmem:$0x1C200] =	vst v63  }
0x109: {  	_ =	swait.ge [sflag:s19], $0x4000  }
.Ltmp7:
0x10a: {  	[sflag:s19] =	ssyncset.done $0x0;
	(pc) =	sbr.rel @!p1 .LBB2_13-.Ltmp7, $4  }
0x10b: {  	[sflag:s19] =	ssyncadd.s32 $0xFFFFC000  }
0x10c: {  	_ =	swait.ge [sflag:s20], $0x80  }
0x10d: {  	[sflag:s20] =	ssyncset.done $0x0  }
0x10e: {  	[sflag:s20] =	ssyncadd.s32 $0xFFFFFF80  }
.Ltmp8:
0x10f: {  	(pc) =	sbr.rel .LBB2_15-.Ltmp8, $3  }
0x110: {  	_ =	sdelay $0x1  }
0x111: {  	[spmem:s1] =	stream.indirect.scatter.add.f32 [tilespmem:s0], [sflag:$0x8], $0x80, s9, s11, $0xb8;
	[tilespmem:$0x1C200] =	vst v63  }
0x112: {  	s25 =	rddreg [dreg:$0x5]  }
.LBB2_9:
0x113: {  	[tilespmem:s30], [sflag:$0x1] =	stream.linear.gather [hbm4b:s14+s2], $0x80, $0x38;
	[tilespmem:$0x1C200] =	vst v63  }
0x114: {  	_ = 	snop  }
0x115: {  	[tilespmem:s7], [sflag:$0x3] =	stream.linear.gather [hbm4b:s13+s2], $0x80, $0x38;
	[tilespmem:$0x1C200] =	vst v63  }
0x116: {  	s21 =	rddreg [dreg:$0x8]  }
0x117: {  	[tilespmem:s23], [sflag:$0x2] =	stream.linear.gather [hbm4b:s21+s2], $0x80, $0x38;
	[tilespmem:$0x1C200] =	vst v63  }
0x118: {  	s25 =	rddreg [dreg:$0x9]  }
0x119: {  	[tilespmem:s9], [sflag:$0x4] =	stream.linear.gather [hbm4b:s25+s2], $0x80, $0x38;
	[tilespmem:$0x1C200] =	vst v63  }
0x11a: {  	_ =	swait.ge [sflag:s8], $0x80  }
0x11b: {  	[sflag:s8] =	ssyncset.done $0x0  }
0x11c: {  	[sflag:s8] =	ssyncadd.s32 $0xFFFFFF80  }
0x11d: {  	[tilespmem:s15], [sflag:$0x5] =	stream.indirect.gather [hbm4b:s4+s11], $0x80, s30, s11, $0xb8;
	[tilespmem:$0x1C200] =	vst v63  }
0x11e: {  	_ =	swait.ge [sflag:s16], $0x80  }
0x11f: {  	[sflag:s16] =	ssyncset.done $0x0  }
0x120: {  	[sflag:s16] =	ssyncadd.s32 $0xFFFFFF80  }
0x121: {  	[tilespmem:s0], [sflag:$0x6] =	stream.indirect.gather [hbm4b:s4+s11], $0x80, s23, s11, $0xb8;
	[tilespmem:$0x1C200] =	vst v63  }
0x122: {  	_ =	swait.ge [sflag:s18], $0x4000  }
0x123: {  	[sflag:s18] =	ssyncset.done $0x0  }
0x124: {  	[sflag:s18] =	ssyncadd.s32 $0xFFFFC000  }
0x125: {  	_ =	swait.ge [sflag:s10], $0x80  }
0x126: {  	[sflag:s10] =	ssyncset.done $0x0  }
0x127: {  	[sflag:s10] =	ssyncadd.s32 $0xFFFFFF80  }
0x128: {  	[spmem:s1] =	stream.indirect.scatter.add.f32 [tilespmem:s15], [sflag:$0x7], $0x80, s7, s11, $0xb8;
	[tilespmem:$0x1C200] =	vst v63  }
0x129: {  	_ =	swait.ge [sflag:s19], $0x4000  }
0x12a: {  	[sflag:s19] =	ssyncset.done $0x0  }
0x12b: {  	[sflag:s19] =	ssyncadd.s32 $0xFFFFC000  }
0x12c: {  	_ =	swait.ge [sflag:s20], $0x80  }
0x12d: {  	[sflag:s20] =	ssyncset.done $0x0  }
0x12e: {  	[sflag:s20] =	ssyncadd.s32 $0xFFFFFF80  }
0x12f: {  	[spmem:s1] =	stream.indirect.scatter.add.f32 [tilespmem:s0], [sflag:$0x8], $0x80, s9, s11, $0xb8;
	[tilespmem:$0x1C200] =	vst v63  }
0x130: {  	_ =	swait.ge [sflag:s29], $0x4000  }
0x131: {  	s21 =	sadd.s32 $0xFFFFFB20, s14;
	[sflag:s29] =	ssyncset.done $0x0  }
0x132: {  	s24 =	sadd.s32 $0x500, s21;
	s25 =	sadd.s32 $0xFFFFFB20, s13;
	[sflag:s29] =	ssyncadd.s32 $0xFFFFC000  }
0x133: {  	[tilespmem:s30], [sflag:$0x1] =	stream.linear.gather [hbm4b:s24+s2], $0x80, $0x38;
	[tilespmem:$0x1C200] =	vst v63  }
0x134: {  	s26 =	sadd.s32 $0x500, s25  }
0x135: {  	[tilespmem:s7], [sflag:$0x3] =	stream.linear.gather [hbm4b:s26+s2], $0x80, $0x38;
	[tilespmem:$0x1C200] =	vst v63  }
0x136: {  	_ =	swait.ge [sflag:s22], $0x4000  }
0x137: {  	[sflag:s22] =	ssyncset.done $0x0  }
0x138: {  	s21 =	sadd.s32 $0x510, s21;
	[sflag:s22] =	ssyncadd.s32 $0xFFFFC000  }
0x139: {  	[tilespmem:s23], [sflag:$0x2] =	stream.linear.gather [hbm4b:s21+s2], $0x80, $0x38;
	[tilespmem:$0x1C200] =	vst v63  }
0x13a: {  	s26 =	sadd.s32 $0x510, s25  }
0x13b: {  	[tilespmem:s9], [sflag:$0x4] =	stream.linear.gather [hbm4b:s26+s2], $0x80, $0x38;
	[tilespmem:$0x1C200] =	vst v63  }
0x13c: {  	_ =	swait.ge [sflag:s8], $0x80  }
0x13d: {  	[sflag:s8] =	ssyncset.done $0x0  }
0x13e: {  	[sflag:s8] =	ssyncadd.s32 $0xFFFFFF80  }
0x13f: {  	[tilespmem:s15], [sflag:$0x5] =	stream.indirect.gather [hbm4b:s4+s11], $0x80, s30, s11, $0xb8;
	[tilespmem:$0x1C200] =	vst v63  }
0x140: {  	_ =	swait.ge [sflag:s16], $0x80  }
0x141: {  	[sflag:s16] =	ssyncset.done $0x0  }
0x142: {  	[sflag:s16] =	ssyncadd.s32 $0xFFFFFF80  }
0x143: {  	[tilespmem:s0], [sflag:$0x6] =	stream.indirect.gather [hbm4b:s4+s11], $0x80, s23, s11, $0xb8;
	[tilespmem:$0x1C200] =	vst v63  }
0x144: {  	_ =	swait.ge [sflag:s18], $0x4000  }
0x145: {  	[sflag:s18] =	ssyncset.done $0x0  }
0x146: {  	[sflag:s18] =	ssyncadd.s32 $0xFFFFC000  }
0x147: {  	_ =	swait.ge [sflag:s10], $0x80  }
0x148: {  	[sflag:s10] =	ssyncset.done $0x0  }
0x149: {  	[sflag:s10] =	ssyncadd.s32 $0xFFFFFF80  }
0x14a: {  	[spmem:s1] =	stream.indirect.scatter.add.f32 [tilespmem:s15], [sflag:$0x7], $0x80, s7, s11, $0xb8;
	[tilespmem:$0x1C200] =	vst v63  }
0x14b: {  	_ =	swait.ge [sflag:s19], $0x4000  }
0x14c: {  	[sflag:s19] =	ssyncset.done $0x0  }
0x14d: {  	[sflag:s19] =	ssyncadd.s32 $0xFFFFC000  }
0x14e: {  	_ =	swait.ge [sflag:s20], $0x80  }
0x14f: {  	[sflag:s20] =	ssyncset.done $0x0  }
0x150: {  	s25 =	simm.s32 $0xFFFFFB40;
	[sflag:s20] =	ssyncadd.s32 $0xFFFFFF80  }
.LBB2_10:
0x151: {  	[spmem:s1] =	stream.indirect.scatter.add.f32 [tilespmem:s0], [sflag:$0x8], $0x80, s9, s11, $0xb8;
	[tilespmem:$0x1C200] =	vst v63  }
0x152: {  	s21 =	smov.u32 s25  }
0x153: {  	p1 =	sne.s32 s25, $0xFFFFFFE0;
	s25 =	sadd.s32 $0x20, s25;
	_ =	swait.ge [sflag:s29], $0x4000  }
0x154: {  	s24 =	sadd.s32 s21, s14;
	[sflag:s29] =	ssyncset.done $0x0  }
0x155: {  	s21 =	sadd.s32 s21, s13;
	s26 =	sadd.s32 $0x500, s24;
	[sflag:s29] =	ssyncadd.s32 $0xFFFFC000  }
0x156: {  	[tilespmem:s30], [sflag:$0x1] =	stream.linear.gather [hbm4b:s26+s2], $0x80, $0x38;
	[tilespmem:$0x1C200] =	vst v63  }
0x157: {  	s26 =	sadd.s32 $0x500, s21  }
0x158: {  	[tilespmem:s7], [sflag:$0x3] =	stream.linear.gather [hbm4b:s26+s2], $0x80, $0x38;
	[tilespmem:$0x1C200] =	vst v63  }
0x159: {  	_ =	swait.ge [sflag:s22], $0x4000  }
0x15a: {  	[sflag:s22] =	ssyncset.done $0x0  }
0x15b: {  	s24 =	sadd.s32 $0x510, s24;
	[sflag:s22] =	ssyncadd.s32 $0xFFFFC000  }
0x15c: {  	[tilespmem:s23], [sflag:$0x2] =	stream.linear.gather [hbm4b:s24+s2], $0x80, $0x38;
	[tilespmem:$0x1C200] =	vst v63  }
0x15d: {  	s21 =	sadd.s32 $0x510, s21  }
0x15e: {  	[tilespmem:s9], [sflag:$0x4] =	stream.linear.gather [hbm4b:s21+s2], $0x80, $0x38;
	[tilespmem:$0x1C200] =	vst v63  }
0x15f: {  	_ =	swait.ge [sflag:s8], $0x80  }
0x160: {  	[sflag:s8] =	ssyncset.done $0x0  }
0x161: {  	[sflag:s8] =	ssyncadd.s32 $0xFFFFFF80  }
0x162: {  	[tilespmem:s15], [sflag:$0x5] =	stream.indirect.gather [hbm4b:s4+s11], $0x80, s30, s11, $0xb8;
	[tilespmem:$0x1C200] =	vst v63  }
0x163: {  	_ =	swait.ge [sflag:s16], $0x80  }
0x164: {  	[sflag:s16] =	ssyncset.done $0x0  }
0x165: {  	[sflag:s16] =	ssyncadd.s32 $0xFFFFFF80  }
0x166: {  	[tilespmem:s0], [sflag:$0x6] =	stream.indirect.gather [hbm4b:s4+s11], $0x80, s23, s11, $0xb8;
	[tilespmem:$0x1C200] =	vst v63  }
0x167: {  	_ =	swait.ge [sflag:s18], $0x4000  }
0x168: {  	[sflag:s18] =	ssyncset.done $0x0  }
0x169: {  	[sflag:s18] =	ssyncadd.s32 $0xFFFFC000  }
0x16a: {  	_ =	swait.ge [sflag:s10], $0x80  }
0x16b: {  	[sflag:s10] =	ssyncset.done $0x0  }
0x16c: {  	[sflag:s10] =	ssyncadd.s32 $0xFFFFFF80  }
0x16d: {  	[spmem:s1] =	stream.indirect.scatter.add.f32 [tilespmem:s15], [sflag:$0x7], $0x80, s7, s11, $0xb8;
	[tilespmem:$0x1C200] =	vst v63  }
0x16e: {  	_ =	swait.ge [sflag:s19], $0x4000  }
.Ltmp9:
0x16f: {  	[sflag:s19] =	ssyncset.done $0x0;
	(pc) =	sbr.rel @p1 .LBB2_10-.Ltmp9, $4  }
0x170: {  	[sflag:s19] =	ssyncadd.s32 $0xFFFFC000  }
0x171: {  	_ =	swait.ge [sflag:s20], $0x80  }
0x172: {  	[sflag:s20] =	ssyncset.done $0x0  }
0x173: {  	[sflag:s20] =	ssyncadd.s32 $0xFFFFFF80  }
0x174: {  	[spmem:s1] =	stream.indirect.scatter.add.f32 [tilespmem:s0], [sflag:$0x8], $0x80, s9, s11, $0xb8;
	[tilespmem:$0x1C200] =	vst v63  }
0x175: {  	s25 =	rddreg [dreg:$0x6]  }
.LBB2_15:
0x176: {  	_ =	swait.ge [sflag:s29], $0x4000  }
0x177: {  	[sflag:s29] =	ssyncset.done $0x0  }
0x178: {  	[sflag:s29] =	ssyncadd.s32 $0xFFFFC000  }
0x179: {  	_ =	swait.ge [sflag:s22], $0x4000  }
0x17a: {  	[sflag:s22] =	ssyncset.done $0x0  }
0x17b: {  	[sflag:s22] =	ssyncadd.s32 $0xFFFFC000  }
0x17c: {  	s21 =	rddreg [dreg:$0xd];
	[bflag:$0x0] =	sbarrier.arrive $0xFFFF  }
0x17d: {  	s21 =	sadd.s32 s25, s21;
	s24 =	rddreg [dreg:$0x12]  }
0x17e: {  	[hbm:s21], [sflag:s24] =	dma.local [spmem:s28], $0x2800  }
0x17f: {  	_ =	swait.ge [sflag:s31], $0x2800  }
0x180: {  	[sflag:s31] =	ssyncset.done $0x0  }
0x181: {  	s26 =	rddreg [dreg:$0x11];
	[sflag:s31] =	ssyncadd.s32 $0xFFFFD800  }
0x182: {  	[spmem:s28], [sflag:s24] =	dma.local [hbm:s26], $0x2800  }
.Ltmp10:
0x183: {  	_ =	swait.ge [sflag:s31], $0x2800;
	(pc) =	sbr.rel @!p0 .LBB2_16-.Ltmp10, $3  }
0x184: {  	[sflag:s31] =	ssyncset.done $0x0  }
0x185: {  	[sflag:s31] =	ssyncadd.s32 $0xFFFFD800  }
0x186: {  	[bflag:$0x0] =	sbarrier.arrive $0xFFFF;
	_ =	sdelay $0x1  }
0x187: {  	[tilespmem:s30], [sflag:$0x1] =	stream.linear.gather [hbm4b:s17+s2], $0x80, $0x38;
	[tilespmem:$0x1C200] =	vst v63  }
0x188: {  	_ = 	snop  }
0x189: {  	[tilespmem:s7], [sflag:$0x3] =	stream.linear.gather [hbm4b:s12+s2], $0x80, $0x38;
	[tilespmem:$0x1C200] =	vst v63  }
0x18a: {  	s21 =	rddreg [dreg:$0xa]  }
0x18b: {  	[tilespmem:s23], [sflag:$0x2] =	stream.linear.gather [hbm4b:s21+s2], $0x80, $0x38;
	[tilespmem:$0x1C200] =	vst v63  }
0x18c: {  	s25 =	rddreg [dreg:$0xb]  }
0x18d: {  	[tilespmem:s9], [sflag:$0x4] =	stream.linear.gather [hbm4b:s25+s2], $0x80, $0x38;
	[tilespmem:$0x1C200] =	vst v63  }
0x18e: {  	_ =	swait.ge [sflag:s8], $0x80  }
0x18f: {  	[sflag:s8] =	ssyncset.done $0x0  }
0x190: {  	[sflag:s8] =	ssyncadd.s32 $0xFFFFFF80  }
0x191: {  	[tilespmem:s15], [sflag:$0x5] =	stream.indirect.gather [hbm4b:s5+s11], $0x80, s30, s11, $0xb8;
	[tilespmem:$0x1C200] =	vst v63  }
0x192: {  	_ =	swait.ge [sflag:s16], $0x80  }
0x193: {  	[sflag:s16] =	ssyncset.done $0x0  }
0x194: {  	[sflag:s16] =	ssyncadd.s32 $0xFFFFFF80  }
0x195: {  	[tilespmem:s0], [sflag:$0x6] =	stream.indirect.gather [hbm4b:s5+s11], $0x80, s23, s11, $0xb8;
	[tilespmem:$0x1C200] =	vst v63  }
0x196: {  	_ =	swait.ge [sflag:s18], $0x4000  }
0x197: {  	[sflag:s18] =	ssyncset.done $0x0  }
0x198: {  	[sflag:s18] =	ssyncadd.s32 $0xFFFFC000  }
0x199: {  	_ =	swait.ge [sflag:s10], $0x80  }
0x19a: {  	[sflag:s10] =	ssyncset.done $0x0  }
0x19b: {  	[sflag:s10] =	ssyncadd.s32 $0xFFFFFF80  }
0x19c: {  	[spmem:s1] =	stream.indirect.scatter.add.f32 [tilespmem:s15], [sflag:$0x7], $0x80, s7, s11, $0xb8;
	[tilespmem:$0x1C200] =	vst v63  }
0x19d: {  	_ =	swait.ge [sflag:s19], $0x4000  }
0x19e: {  	[sflag:s19] =	ssyncset.done $0x0  }
0x19f: {  	[sflag:s19] =	ssyncadd.s32 $0xFFFFC000  }
0x1a0: {  	_ =	swait.ge [sflag:s20], $0x80  }
0x1a1: {  	[sflag:s20] =	ssyncset.done $0x0  }
0x1a2: {  	[sflag:s20] =	ssyncadd.s32 $0xFFFFFF80  }
0x1a3: {  	[spmem:s1] =	stream.indirect.scatter.add.f32 [tilespmem:s0], [sflag:$0x8], $0x80, s9, s11, $0xb8;
	[tilespmem:$0x1C200] =	vst v63  }
0x1a4: {  	_ =	swait.ge [sflag:s29], $0x4000  }
0x1a5: {  	s21 =	sadd.s32 $0xFFFFFB20, s17;
	[sflag:s29] =	ssyncset.done $0x0  }
0x1a6: {  	s24 =	sadd.s32 $0x500, s21;
	s25 =	sadd.s32 $0xFFFFFB20, s12;
	[sflag:s29] =	ssyncadd.s32 $0xFFFFC000  }
0x1a7: {  	[tilespmem:s30], [sflag:$0x1] =	stream.linear.gather [hbm4b:s24+s2], $0x80, $0x38;
	[tilespmem:$0x1C200] =	vst v63  }
0x1a8: {  	s26 =	sadd.s32 $0x500, s25  }
0x1a9: {  	[tilespmem:s7], [sflag:$0x3] =	stream.linear.gather [hbm4b:s26+s2], $0x80, $0x38;
	[tilespmem:$0x1C200] =	vst v63  }
0x1aa: {  	_ =	swait.ge [sflag:s22], $0x4000  }
0x1ab: {  	[sflag:s22] =	ssyncset.done $0x0  }
0x1ac: {  	s21 =	sadd.s32 $0x510, s21;
	[sflag:s22] =	ssyncadd.s32 $0xFFFFC000  }
0x1ad: {  	[tilespmem:s23], [sflag:$0x2] =	stream.linear.gather [hbm4b:s21+s2], $0x80, $0x38;
	[tilespmem:$0x1C200] =	vst v63  }
0x1ae: {  	s26 =	sadd.s32 $0x510, s25  }
0x1af: {  	[tilespmem:s9], [sflag:$0x4] =	stream.linear.gather [hbm4b:s26+s2], $0x80, $0x38;
	[tilespmem:$0x1C200] =	vst v63  }
0x1b0: {  	_ =	swait.ge [sflag:s8], $0x80  }
0x1b1: {  	[sflag:s8] =	ssyncset.done $0x0  }
0x1b2: {  	[sflag:s8] =	ssyncadd.s32 $0xFFFFFF80  }
0x1b3: {  	[tilespmem:s15], [sflag:$0x5] =	stream.indirect.gather [hbm4b:s5+s11], $0x80, s30, s11, $0xb8;
	[tilespmem:$0x1C200] =	vst v63  }
0x1b4: {  	_ =	swait.ge [sflag:s16], $0x80  }
0x1b5: {  	[sflag:s16] =	ssyncset.done $0x0  }
0x1b6: {  	[sflag:s16] =	ssyncadd.s32 $0xFFFFFF80  }
0x1b7: {  	[tilespmem:s0], [sflag:$0x6] =	stream.indirect.gather [hbm4b:s5+s11], $0x80, s23, s11, $0xb8;
	[tilespmem:$0x1C200] =	vst v63  }
0x1b8: {  	_ =	swait.ge [sflag:s18], $0x4000  }
0x1b9: {  	[sflag:s18] =	ssyncset.done $0x0  }
0x1ba: {  	[sflag:s18] =	ssyncadd.s32 $0xFFFFC000  }
0x1bb: {  	_ =	swait.ge [sflag:s10], $0x80  }
0x1bc: {  	[sflag:s10] =	ssyncset.done $0x0  }
0x1bd: {  	[sflag:s10] =	ssyncadd.s32 $0xFFFFFF80  }
0x1be: {  	[spmem:s1] =	stream.indirect.scatter.add.f32 [tilespmem:s15], [sflag:$0x7], $0x80, s7, s11, $0xb8;
	[tilespmem:$0x1C200] =	vst v63  }
0x1bf: {  	_ =	swait.ge [sflag:s19], $0x4000  }
0x1c0: {  	[sflag:s19] =	ssyncset.done $0x0  }
0x1c1: {  	[sflag:s19] =	ssyncadd.s32 $0xFFFFC000  }
0x1c2: {  	_ =	swait.ge [sflag:s20], $0x80  }
0x1c3: {  	[sflag:s20] =	ssyncset.done $0x0  }
0x1c4: {  	s25 =	simm.s32 $0xFFFFFB40;
	[sflag:s20] =	ssyncadd.s32 $0xFFFFFF80  }
.LBB2_20:
0x1c5: {  	[spmem:s1] =	stream.indirect.scatter.add.f32 [tilespmem:s0], [sflag:$0x8], $0x80, s9, s11, $0xb8;
	[tilespmem:$0x1C200] =	vst v63  }
0x1c6: {  	s21 =	smov.u32 s25  }
0x1c7: {  	p1 =	seq.s32 s25, $0xFFFFFFE0;
	s25 =	sadd.s32 $0x20, s25;
	_ =	swait.ge [sflag:s29], $0x4000  }
0x1c8: {  	s24 =	sadd.s32 s21, s17;
	[sflag:s29] =	ssyncset.done $0x0  }
0x1c9: {  	s21 =	sadd.s32 s21, s12;
	s26 =	sadd.s32 $0x500, s24;
	[sflag:s29] =	ssyncadd.s32 $0xFFFFC000  }
0x1ca: {  	[tilespmem:s30], [sflag:$0x1] =	stream.linear.gather [hbm4b:s26+s2], $0x80, $0x38;
	[tilespmem:$0x1C200] =	vst v63  }
0x1cb: {  	s26 =	sadd.s32 $0x500, s21  }
0x1cc: {  	[tilespmem:s7], [sflag:$0x3] =	stream.linear.gather [hbm4b:s26+s2], $0x80, $0x38;
	[tilespmem:$0x1C200] =	vst v63  }
0x1cd: {  	_ =	swait.ge [sflag:s22], $0x4000  }
0x1ce: {  	[sflag:s22] =	ssyncset.done $0x0  }
0x1cf: {  	s24 =	sadd.s32 $0x510, s24;
	[sflag:s22] =	ssyncadd.s32 $0xFFFFC000  }
0x1d0: {  	[tilespmem:s23], [sflag:$0x2] =	stream.linear.gather [hbm4b:s24+s2], $0x80, $0x38;
	[tilespmem:$0x1C200] =	vst v63  }
0x1d1: {  	s21 =	sadd.s32 $0x510, s21  }
0x1d2: {  	[tilespmem:s9], [sflag:$0x4] =	stream.linear.gather [hbm4b:s21+s2], $0x80, $0x38;
	[tilespmem:$0x1C200] =	vst v63  }
0x1d3: {  	_ =	swait.ge [sflag:s8], $0x80  }
0x1d4: {  	[sflag:s8] =	ssyncset.done $0x0  }
0x1d5: {  	[sflag:s8] =	ssyncadd.s32 $0xFFFFFF80  }
0x1d6: {  	[tilespmem:s15], [sflag:$0x5] =	stream.indirect.gather [hbm4b:s5+s11], $0x80, s30, s11, $0xb8;
	[tilespmem:$0x1C200] =	vst v63  }
0x1d7: {  	_ =	swait.ge [sflag:s16], $0x80  }
0x1d8: {  	[sflag:s16] =	ssyncset.done $0x0  }
0x1d9: {  	[sflag:s16] =	ssyncadd.s32 $0xFFFFFF80  }
0x1da: {  	[tilespmem:s0], [sflag:$0x6] =	stream.indirect.gather [hbm4b:s5+s11], $0x80, s23, s11, $0xb8;
	[tilespmem:$0x1C200] =	vst v63  }
0x1db: {  	_ =	swait.ge [sflag:s18], $0x4000  }
0x1dc: {  	[sflag:s18] =	ssyncset.done $0x0  }
0x1dd: {  	[sflag:s18] =	ssyncadd.s32 $0xFFFFC000  }
0x1de: {  	_ =	swait.ge [sflag:s10], $0x80  }
0x1df: {  	[sflag:s10] =	ssyncset.done $0x0  }
0x1e0: {  	[sflag:s10] =	ssyncadd.s32 $0xFFFFFF80  }
0x1e1: {  	[spmem:s1] =	stream.indirect.scatter.add.f32 [tilespmem:s15], [sflag:$0x7], $0x80, s7, s11, $0xb8;
	[tilespmem:$0x1C200] =	vst v63  }
0x1e2: {  	_ =	swait.ge [sflag:s19], $0x4000  }
.Ltmp11:
0x1e3: {  	[sflag:s19] =	ssyncset.done $0x0;
	(pc) =	sbr.rel @!p1 .LBB2_20-.Ltmp11, $4  }
0x1e4: {  	[sflag:s19] =	ssyncadd.s32 $0xFFFFC000  }
0x1e5: {  	_ =	swait.ge [sflag:s20], $0x80  }
0x1e6: {  	[sflag:s20] =	ssyncset.done $0x0  }
0x1e7: {  	[sflag:s20] =	ssyncadd.s32 $0xFFFFFF80  }
.Ltmp12:
0x1e8: {  	_ = 	snop;
	(pc) =	sbr.rel .LBB2_21-.Ltmp12, $1  }
0x1e9: {  	_ =	sdelay $0x3  }
.LBB2_16:
0x1ea: {  	[tilespmem:s30], [sflag:$0x1] =	stream.linear.gather [hbm4b:s17+s2], $0x80, $0x38;
	[tilespmem:$0x1C200] =	vst v63  }
0x1eb: {  	_ = 	snop  }
0x1ec: {  	[tilespmem:s7], [sflag:$0x3] =	stream.linear.gather [hbm4b:s12+s2], $0x80, $0x38;
	[tilespmem:$0x1C200] =	vst v63  }
0x1ed: {  	s21 =	rddreg [dreg:$0xa]  }
0x1ee: {  	[tilespmem:s23], [sflag:$0x2] =	stream.linear.gather [hbm4b:s21+s2], $0x80, $0x38;
	[tilespmem:$0x1C200] =	vst v63  }
0x1ef: {  	s25 =	rddreg [dreg:$0xb]  }
0x1f0: {  	[tilespmem:s9], [sflag:$0x4] =	stream.linear.gather [hbm4b:s25+s2], $0x80, $0x38;
	[tilespmem:$0x1C200] =	vst v63  }
0x1f1: {  	_ =	swait.ge [sflag:s8], $0x80  }
0x1f2: {  	[sflag:s8] =	ssyncset.done $0x0  }
0x1f3: {  	[sflag:s8] =	ssyncadd.s32 $0xFFFFFF80  }
0x1f4: {  	[tilespmem:s15], [sflag:$0x5] =	stream.indirect.gather [hbm4b:s6+s11], $0x80, s30, s11, $0xb8;
	[tilespmem:$0x1C200] =	vst v63  }
0x1f5: {  	_ =	swait.ge [sflag:s16], $0x80  }
0x1f6: {  	[sflag:s16] =	ssyncset.done $0x0  }
0x1f7: {  	[sflag:s16] =	ssyncadd.s32 $0xFFFFFF80  }
0x1f8: {  	[tilespmem:s0], [sflag:$0x6] =	stream.indirect.gather [hbm4b:s6+s11], $0x80, s23, s11, $0xb8;
	[tilespmem:$0x1C200] =	vst v63  }
0x1f9: {  	_ =	swait.ge [sflag:s18], $0x4000  }
0x1fa: {  	[sflag:s18] =	ssyncset.done $0x0  }
0x1fb: {  	[sflag:s18] =	ssyncadd.s32 $0xFFFFC000  }
0x1fc: {  	_ =	swait.ge [sflag:s10], $0x80  }
0x1fd: {  	[sflag:s10] =	ssyncset.done $0x0  }
0x1fe: {  	[sflag:s10] =	ssyncadd.s32 $0xFFFFFF80  }
0x1ff: {  	[spmem:s1] =	stream.indirect.scatter.add.f32 [tilespmem:s15], [sflag:$0x7], $0x80, s7, s11, $0xb8;
	[tilespmem:$0x1C200] =	vst v63  }
0x200: {  	_ =	swait.ge [sflag:s19], $0x4000  }
0x201: {  	[sflag:s19] =	ssyncset.done $0x0  }
0x202: {  	[sflag:s19] =	ssyncadd.s32 $0xFFFFC000  }
0x203: {  	_ =	swait.ge [sflag:s20], $0x80  }
0x204: {  	[sflag:s20] =	ssyncset.done $0x0  }
0x205: {  	[sflag:s20] =	ssyncadd.s32 $0xFFFFFF80  }
0x206: {  	[spmem:s1] =	stream.indirect.scatter.add.f32 [tilespmem:s0], [sflag:$0x8], $0x80, s9, s11, $0xb8;
	[tilespmem:$0x1C200] =	vst v63  }
0x207: {  	_ =	swait.ge [sflag:s29], $0x4000  }
0x208: {  	s21 =	sadd.s32 $0xFFFFFB20, s17;
	[sflag:s29] =	ssyncset.done $0x0  }
0x209: {  	s24 =	sadd.s32 $0x500, s21;
	s25 =	sadd.s32 $0xFFFFFB20, s12;
	[sflag:s29] =	ssyncadd.s32 $0xFFFFC000  }
0x20a: {  	[tilespmem:s30], [sflag:$0x1] =	stream.linear.gather [hbm4b:s24+s2], $0x80, $0x38;
	[tilespmem:$0x1C200] =	vst v63  }
0x20b: {  	s26 =	sadd.s32 $0x500, s25  }
0x20c: {  	[tilespmem:s7], [sflag:$0x3] =	stream.linear.gather [hbm4b:s26+s2], $0x80, $0x38;
	[tilespmem:$0x1C200] =	vst v63  }
0x20d: {  	_ =	swait.ge [sflag:s22], $0x4000  }
0x20e: {  	[sflag:s22] =	ssyncset.done $0x0  }
0x20f: {  	s21 =	sadd.s32 $0x510, s21;
	[sflag:s22] =	ssyncadd.s32 $0xFFFFC000  }
0x210: {  	[tilespmem:s23], [sflag:$0x2] =	stream.linear.gather [hbm4b:s21+s2], $0x80, $0x38;
	[tilespmem:$0x1C200] =	vst v63  }
0x211: {  	s26 =	sadd.s32 $0x510, s25  }
0x212: {  	[tilespmem:s9], [sflag:$0x4] =	stream.linear.gather [hbm4b:s26+s2], $0x80, $0x38;
	[tilespmem:$0x1C200] =	vst v63  }
0x213: {  	_ =	swait.ge [sflag:s8], $0x80  }
0x214: {  	[sflag:s8] =	ssyncset.done $0x0  }
0x215: {  	[sflag:s8] =	ssyncadd.s32 $0xFFFFFF80  }
0x216: {  	[tilespmem:s15], [sflag:$0x5] =	stream.indirect.gather [hbm4b:s6+s11], $0x80, s30, s11, $0xb8;
	[tilespmem:$0x1C200] =	vst v63  }
0x217: {  	_ =	swait.ge [sflag:s16], $0x80  }
0x218: {  	[sflag:s16] =	ssyncset.done $0x0  }
0x219: {  	[sflag:s16] =	ssyncadd.s32 $0xFFFFFF80  }
0x21a: {  	[tilespmem:s0], [sflag:$0x6] =	stream.indirect.gather [hbm4b:s6+s11], $0x80, s23, s11, $0xb8;
	[tilespmem:$0x1C200] =	vst v63  }
0x21b: {  	_ =	swait.ge [sflag:s18], $0x4000  }
0x21c: {  	[sflag:s18] =	ssyncset.done $0x0  }
0x21d: {  	[sflag:s18] =	ssyncadd.s32 $0xFFFFC000  }
0x21e: {  	_ =	swait.ge [sflag:s10], $0x80  }
0x21f: {  	[sflag:s10] =	ssyncset.done $0x0  }
0x220: {  	[sflag:s10] =	ssyncadd.s32 $0xFFFFFF80  }
0x221: {  	[spmem:s1] =	stream.indirect.scatter.add.f32 [tilespmem:s15], [sflag:$0x7], $0x80, s7, s11, $0xb8;
	[tilespmem:$0x1C200] =	vst v63  }
0x222: {  	_ =	swait.ge [sflag:s19], $0x4000  }
0x223: {  	[sflag:s19] =	ssyncset.done $0x0  }
0x224: {  	[sflag:s19] =	ssyncadd.s32 $0xFFFFC000  }
0x225: {  	_ =	swait.ge [sflag:s20], $0x80  }
0x226: {  	[sflag:s20] =	ssyncset.done $0x0  }
0x227: {  	s25 =	simm.s32 $0xFFFFFB40;
	[sflag:s20] =	ssyncadd.s32 $0xFFFFFF80  }
.LBB2_17:
0x228: {  	[spmem:s1] =	stream.indirect.scatter.add.f32 [tilespmem:s0], [sflag:$0x8], $0x80, s9, s11, $0xb8;
	[tilespmem:$0x1C200] =	vst v63  }
0x229: {  	s21 =	smov.u32 s25  }
0x22a: {  	p1 =	sne.s32 s25, $0xFFFFFFE0;
	s25 =	sadd.s32 $0x20, s25;
	_ =	swait.ge [sflag:s29], $0x4000  }
0x22b: {  	s24 =	sadd.s32 s21, s17;
	[sflag:s29] =	ssyncset.done $0x0  }
0x22c: {  	s21 =	sadd.s32 s21, s12;
	s26 =	sadd.s32 $0x500, s24;
	[sflag:s29] =	ssyncadd.s32 $0xFFFFC000  }
0x22d: {  	[tilespmem:s30], [sflag:$0x1] =	stream.linear.gather [hbm4b:s26+s2], $0x80, $0x38;
	[tilespmem:$0x1C200] =	vst v63  }
0x22e: {  	s26 =	sadd.s32 $0x500, s21  }
0x22f: {  	[tilespmem:s7], [sflag:$0x3] =	stream.linear.gather [hbm4b:s26+s2], $0x80, $0x38;
	[tilespmem:$0x1C200] =	vst v63  }
0x230: {  	_ =	swait.ge [sflag:s22], $0x4000  }
0x231: {  	[sflag:s22] =	ssyncset.done $0x0  }
0x232: {  	s24 =	sadd.s32 $0x510, s24;
	[sflag:s22] =	ssyncadd.s32 $0xFFFFC000  }
0x233: {  	[tilespmem:s23], [sflag:$0x2] =	stream.linear.gather [hbm4b:s24+s2], $0x80, $0x38;
	[tilespmem:$0x1C200] =	vst v63  }
0x234: {  	s21 =	sadd.s32 $0x510, s21  }
0x235: {  	[tilespmem:s9], [sflag:$0x4] =	stream.linear.gather [hbm4b:s21+s2], $0x80, $0x38;
	[tilespmem:$0x1C200] =	vst v63  }
0x236: {  	_ =	swait.ge [sflag:s8], $0x80  }
0x237: {  	[sflag:s8] =	ssyncset.done $0x0  }
0x238: {  	[sflag:s8] =	ssyncadd.s32 $0xFFFFFF80  }
0x239: {  	[tilespmem:s15], [sflag:$0x5] =	stream.indirect.gather [hbm4b:s6+s11], $0x80, s30, s11, $0xb8;
	[tilespmem:$0x1C200] =	vst v63  }
0x23a: {  	_ =	swait.ge [sflag:s16], $0x80  }
0x23b: {  	[sflag:s16] =	ssyncset.done $0x0  }
0x23c: {  	[sflag:s16] =	ssyncadd.s32 $0xFFFFFF80  }
0x23d: {  	[tilespmem:s0], [sflag:$0x6] =	stream.indirect.gather [hbm4b:s6+s11], $0x80, s23, s11, $0xb8;
	[tilespmem:$0x1C200] =	vst v63  }
0x23e: {  	_ =	swait.ge [sflag:s18], $0x4000  }
0x23f: {  	[sflag:s18] =	ssyncset.done $0x0  }
0x240: {  	[sflag:s18] =	ssyncadd.s32 $0xFFFFC000  }
0x241: {  	_ =	swait.ge [sflag:s10], $0x80  }
0x242: {  	[sflag:s10] =	ssyncset.done $0x0  }
0x243: {  	[sflag:s10] =	ssyncadd.s32 $0xFFFFFF80  }
0x244: {  	[spmem:s1] =	stream.indirect.scatter.add.f32 [tilespmem:s15], [sflag:$0x7], $0x80, s7, s11, $0xb8;
	[tilespmem:$0x1C200] =	vst v63  }
0x245: {  	_ =	swait.ge [sflag:s19], $0x4000  }
.Ltmp13:
0x246: {  	[sflag:s19] =	ssyncset.done $0x0;
	(pc) =	sbr.rel @p1 .LBB2_17-.Ltmp13, $4  }
0x247: {  	[sflag:s19] =	ssyncadd.s32 $0xFFFFC000  }
0x248: {  	_ =	swait.ge [sflag:s20], $0x80  }
0x249: {  	[sflag:s20] =	ssyncset.done $0x0  }
0x24a: {  	[sflag:s20] =	ssyncadd.s32 $0xFFFFFF80  }
.Ltmp14:
0x24b: {  	(pc) =	sbr.rel .LBB2_22-.Ltmp14, $4  }
0x24c: {  	[spmem:s1] =	stream.indirect.scatter.add.f32 [tilespmem:s0], [sflag:$0x8], $0x80, s9, s11, $0xb8;
	[tilespmem:$0x1C200] =	vst v63  }
0x24d: {  	s25 =	rddreg [dreg:$0xc]  }
0x24e: {  	s24 =	rddreg [dreg:$0x12]  }
0x24f: {  	s26 =	rddreg [dreg:$0x16]  }
.LBB2_23:
0x250: {  	_ =	sfence.sel $0x180000  }
0x251: {  	[bflag:$0x0] =	sbarrier.arrive $0xFFFF  }
0x252: {  	_ =	strace $0x90000047  }
0x253: {  	s0 =	stileid.u32;
	[bflag:$0x2] =	sbarrier.arrive $0xFFFF  }
0x254: {  	p0 =	sne.s32 s0, $0x0;
	s0 =	rddreg [dreg:$0x3]  }
0x255: {  	s0 =	sadd.s32 @!p0 $0x100000, s0  }
0x256: {  	[sflag:s0] =	ssyncadd.tile.s32 @!p0 $0x1;
	_ =	shalt  }
.Lfunc_end2:
_tile_overlayer_lowered:
.L_overlay_start_2:
0x257: {  	(tag) =	ssettag $0x2  }
0x258: {  	s0 =	rddreg [dreg:$0x0];
	s2 =	stileid.u32  }
0x259: {  	s1 =	rddreg [dreg:$0x1];
	p0 =	sne.s32 s2, $0x0  }
0x25a: {  	s3 =	rddreg [dreg:$0x2];
	[bflag:$0x3] =	sbarrier.arrive $0xFFFF;
	s2 =	simm.s32 @!p0 $0x1C09  }
0x25b: {  	[timem:s3], [sflag:s2] =	dma.local @!p0 [hbm:s0], s1  }
0x25c: {  	s0 =	simm.s32 @!p0 $0x9  }
0x25d: {  	_ =	swait.ge @!p0 [sflag:s0], s1  }
0x25e: {  	s1 =	ssub.s32 @!p0 $0x0, s1;
	[sflag:s0] =	ssyncset.done @!p0 $0x0  }
0x25f: {  	[sflag:s0] =	ssyncadd.s32 @!p0 s1  }
0x260: {  	[bflag:$0x3] =	sbarrier.arrive $0xFFFF  }
0x261: {  	_ =	shalt  }

</sc_bundles>
